<compile_context>
chip_gen: v7x
topology: tpu7x:2x2x1
jax: 0.10.2.dev20260603
libtpu: 0.0.44.dev20260713+nightly
codegen_flags: <defaults>
</compile_context>

<pallas_src>
import functools

import jax
import jax.numpy as jnp
from jax import lax
from jax.experimental import pallas as pl
from jax.experimental.pallas import tpu as pltpu
from jax.experimental.pallas import tpu_sc as plsc

BATCH = 4
SEQ = 2048
EMBED_DIM = 128
MAX_LENGTH = 2048

NUM_CORES = 2
NUM_SUBCORES = 16
LANES = 16
NW = NUM_CORES * NUM_SUBCORES

TOKENS = BATCH * SEQ
CHUNK = TOKENS // NW
IDX_MINOR = 128
K = CHUNK // IDX_MINOR
PER_ROW = SEQ // CHUNK

_mesh = plsc.VectorSubcoreMesh(core_axis_name="c", subcore_axis_name="s")


@functools.partial(
    pl.kernel,
    mesh=_mesh,
    out_type=jax.ShapeDtypeStruct((TOKENS, EMBED_DIM), jnp.float32),
    scratch_types=[
        pltpu.VMEM((K, IDX_MINOR), jnp.int32),
        pltpu.VMEM((K, IDX_MINOR), jnp.int32),
        pltpu.VMEM((CHUNK, EMBED_DIM), jnp.float32),
        pltpu.VMEM((CHUNK, EMBED_DIM), jnp.float32),
        pltpu.VMEM_SHARED((MAX_LENGTH, EMBED_DIM), jnp.float32),
        pltpu.SemaphoreType.DMA,
        pltpu.SemaphoreType.DMA,
        pltpu.SemaphoreType.DMA,
        pltpu.SemaphoreType.DMA,
        pltpu.SemaphoreType.DMA,
    ],
)
def _embed_sc(x_hbm, xp_hbm, tok_hbm, pos_hbm, out_hbm,
              xi, pi, tok_v, pos_v, pos_sh,
              sem_t0, sem_t1, sem_p0, sem_p1, sem_o):
    wid = lax.axis_index("s") * NUM_CORES + lax.axis_index("c")
    sid = lax.axis_index("s")
    base = wid * CHUNK
    row = wid // PER_ROW
    col = (wid % PER_ROW) * CHUNK

    sem_t = (sem_t0, sem_t1)
    sem_p = (sem_p0, sem_p1)
    idx_c = []
    for k in range(K):
        src = pl.ds(col + k * IDX_MINOR, IDX_MINOR)
        idx_c.append(pltpu.async_copy(x_hbm.at[row, src], xi.at[k], sem_t[k]))
        idx_c.append(pltpu.async_copy(xp_hbm.at[row, src], pi.at[k], sem_p[k]))

    @pl.when(sid == 0)
    def _():
        pltpu.sync_copy(pos_hbm, pos_sh)

    for c in idx_c:
        c.wait()

    tok_c = []
    for k in range(K):
        sl = pl.ds(k * IDX_MINOR, IDX_MINOR)
        tok_c.append(pltpu.async_copy(tok_hbm.at[xi.at[k]], tok_v.at[sl],
                                      sem_t[k]))

    plsc.subcore_barrier()

    pos_c = []
    for k in range(K):
        sl = pl.ds(k * IDX_MINOR, IDX_MINOR)
        pos_c.append(pltpu.async_copy(pos_sh.at[pi.at[k]], pos_v.at[sl],
                                      sem_p[k]))

    out_c = []
    for k in range(K):
        tok_c[k].wait()
        pos_c[k].wait()

        def body(i, _):
            for r in range(2):
                for j in range(EMBED_DIM // LANES):
                    sl = pl.ds(j * LANES, LANES)
                    plsc.addupdate(tok_v.at[i * 2 + r, sl], pos_v[i * 2 + r, sl])
            return _

        lax.fori_loop(k * (IDX_MINOR // 2), (k + 1) * (IDX_MINOR // 2), body, 0)

        sl = pl.ds(k * IDX_MINOR, IDX_MINOR)
        out_c.append(pltpu.async_copy(
            tok_v.at[sl], out_hbm.at[pl.ds(base + k * IDX_MINOR, IDX_MINOR)],
            sem_o))
    for c in out_c:
        c.wait()


def kernel(x, x_pos, tok_embed, pos_embed):
    out = _embed_sc(x.astype(jnp.int32), x_pos.astype(jnp.int32),
                    tok_embed, pos_embed)
    return out.reshape(BATCH, SEQ, EMBED_DIM)

# --- scband reference (transcript-rebuilt; emitter-appended) ---
"""Pipeline reference for scband-gpt2-embedding-53970559041701 (READ-ONLY COPY).

The authoritative reference and input builder live on the scoring server;
editing this copy changes nothing except your own understanding.
"""

import jax, jax.numpy as jnp
import numpy as np

VOCAB_SIZE = 100000
MAX_LENGTH = 2048
EMBED_DIM = 128
BATCH = 4
SEQ = 2048

def setup_inputs(seed: int = 0) -> dict:
    key = jax.random.key(seed)
    k1, k2, k3, k4 = jax.random.split(key, 4)
    x = jax.random.randint(k1, (BATCH, SEQ), 0, VOCAB_SIZE, dtype=jnp.int64 if jax.config.jax_enable_x64 else jnp.int32)
    x_pos = jax.random.randint(k2, (BATCH, SEQ), 0, MAX_LENGTH, dtype=jnp.int64 if jax.config.jax_enable_x64 else jnp.int32)
    tok_embed = jax.random.normal(k3, (VOCAB_SIZE, EMBED_DIM), dtype=jnp.float32) * 0.02
    pos_embed = jax.random.normal(k4, (MAX_LENGTH, EMBED_DIM), dtype=jnp.float32) * 0.02
    return {"x": x, "x_pos": x_pos, "tok_embed": tok_embed, "pos_embed": pos_embed}

def reference(x, x_pos, tok_embed, pos_embed):
    # GPT2Embedding.forward: tok_embed(x) + pos_embed(x_pos)
    tok = jnp.take(tok_embed, x, axis=0)
    pos = jnp.take(pos_embed, x_pos, axis=0)
    return tok + pos

if __name__ == "__main__":
    import jax
    _d = setup_inputs()
    print(jax.jit(kernel)(*tuple(_d.values())))

</pallas_src>

<mosaic_0001>
#map = affine_map<(d0, d1) -> (0, 0)>
module attributes {stable_mosaic.version = 14 : i64} {
  func.func @_embed_sc(%arg0: i32, %arg1: i32, %arg2: memref<4x2048xi32, #tpu.memory_space<hbm>>, %arg3: memref<4x2048xi32, #tpu.memory_space<hbm>>, %arg4: memref<100000x128xf32, #tpu.memory_space<hbm>>, %arg5: memref<2048x128xf32, #tpu.memory_space<hbm>>, %arg6: memref<8192x128xf32, #tpu.memory_space<hbm>>, %arg7: memref<2x128xi32, #tpu.memory_space<vmem>>, %arg8: memref<2x128xi32, #tpu.memory_space<vmem>>, %arg9: memref<256x128xf32, #tpu.memory_space<vmem>>, %arg10: memref<256x128xf32, #tpu.memory_space<vmem>>, %arg11: memref<2048x128xf32, #tpu.memory_space<vmem_shared>>, %arg12: memref<!tpu.dma_semaphore, #tpu.memory_space<semaphore_mem>>, %arg13: memref<!tpu.dma_semaphore, #tpu.memory_space<semaphore_mem>>, %arg14: memref<!tpu.dma_semaphore, #tpu.memory_space<semaphore_mem>>, %arg15: memref<!tpu.dma_semaphore, #tpu.memory_space<semaphore_mem>>, %arg16: memref<!tpu.dma_semaphore, #tpu.memory_space<semaphore_mem>>) attributes {dimension_semantics = [#tpu.dimension_semantics<core_parallel>, #tpu.dimension_semantics<subcore_parallel>], iteration_bounds = array<i64: 2, 16>, scalar_prefetch = 0 : i64, scratch_operands = 10 : i64, tpu.core_type = #tpu.core_type<sc_vector_subcore>, window_params = [{transform_indices = #map}, {transform_indices = #map}, {transform_indices = #map}, {transform_indices = #map}, {transform_indices = #map}]} {
    %mul3A = arith.constant 2 : i32
    %mul3A_0 = arith.muli %arg1, %mul3A : i32
    %add3A = arith.addi %mul3A_0, %arg0 : i32
    %mul3A_1 = arith.constant 256 : i32
    %mul3A_2 = arith.muli %add3A, %mul3A_1 : i32
    %jit3A = arith.constant 8 : i32
    %div3A = arith.divsi %add3A, %jit3A : i32
    %sign3A = arith.constant 0 : i32
    %sign3A_3 = arith.cmpi sgt, %add3A, %sign3A : i32
    %sign3A_4 = arith.extui %sign3A_3 : i1 to i32
    %sign3A_5 = arith.constant 0 : i32
    %sign3A_6 = arith.cmpi slt, %add3A, %sign3A_5 : i32
    %sign3A_7 = arith.extui %sign3A_6 : i1 to i32
    %sign3A_8 = arith.subi %sign3A_4, %sign3A_7 : i32
    %sign3A_9 = arith.constant 0 : i32
    %sign3A_10 = arith.cmpi sgt, %jit3A, %sign3A_9 : i32
    %sign3A_11 = arith.extui %sign3A_10 : i1 to i32
    %sign3A_12 = arith.constant 0 : i32
    %sign3A_13 = arith.cmpi slt, %jit3A, %sign3A_12 : i32
    %sign3A_14 = arith.extui %sign3A_13 : i1 to i32
    %sign3A_15 = arith.subi %sign3A_11, %sign3A_14 : i32
    %ne3A = arith.cmpi ne, %sign3A_8, %sign3A_15 : i32
    %rem3A = arith.remsi %add3A, %jit3A : i32
    %ne3A_16 = arith.constant 0 : i32
    %ne3A_17 = arith.cmpi ne, %rem3A, %ne3A_16 : i32
    %and3A = arith.andi %ne3A, %ne3A_17 : i1
    %sub3A = arith.constant 1 : i32
    %sub3A_18 = arith.subi %div3A, %sub3A : i32
    %select_n3A = arith.select %and3A, %sub3A_18, %div3A : i32
    %jit3A_19 = arith.constant 8 : i32
    %eq3A = arith.constant 0 : i32
    %eq3A_20 = arith.cmpi eq, %jit3A_19, %eq3A : i32
    %jit3A_21 = arith.constant 1 : i32
    %select_n3A_22 = arith.select %eq3A_20, %jit3A_21, %jit3A_19 : i32
    %rem3A_23 = arith.remsi %add3A, %select_n3A_22 : i32
    %ne3A_24 = arith.constant 0 : i32
    %ne3A_25 = arith.cmpi ne, %rem3A_23, %ne3A_24 : i32
    %lt3A = arith.constant 0 : i32
    %lt3A_26 = arith.cmpi slt, %rem3A_23, %lt3A : i32
    %lt3A_27 = arith.constant 0 : i32
    %lt3A_28 = arith.cmpi slt, %select_n3A_22, %lt3A_27 : i32
    %ne3A_29 = arith.xori %lt3A_26, %lt3A_28 : i1
    %and3A_30 = arith.andi %ne3A_29, %ne3A_25 : i1
    %add3A_31 = arith.addi %rem3A_23, %select_n3A_22 : i32
    %select_n3A_32 = arith.select %and3A_30, %add3A_31, %rem3A_23 : i32
    %mul3A_33 = arith.constant 256 : i32
    %mul3A_34 = arith.muli %select_n3A_32, %mul3A_33 : i32
    %add3A_35 = arith.constant 0 : i32
    %add3A_36 = arith.addi %mul3A_34, %add3A_35 : i32
    %dma_start3A = arith.constant 0 : i32
    %dma_start3A_37 = arith.constant 0 : i32
    %dma_start3A_38 = tpu.memref_slice %arg7[%dma_start3A, %dma_start3A_37] : memref<2x128xi32, #tpu.memory_space<vmem>> -> memref<1x128xi32, #tpu.memory_space<vmem>>
    %dma_start3A_39 = tpu.memref_squeeze %dma_start3A_38 : memref<1x128xi32, #tpu.memory_space<vmem>> -> memref<128xi32, #tpu.memory_space<vmem>>
    %dma_start3A_40 = tpu.memref_slice %arg2[%select_n3A, %add3A_36] : memref<4x2048xi32, #tpu.memory_space<hbm>> -> memref<1x128xi32, #tpu.memory_space<hbm>>
    %dma_start3A_41 = tpu.memref_squeeze %dma_start3A_40 : memref<1x128xi32, #tpu.memory_space<hbm>> -> memref<128xi32, #tpu.memory_space<hbm>>
    %dma_start3A_42 = arith.constant 0 : i32
    %dma_start3A_43 = tpu.memref_slice %arg7[%dma_start3A, %dma_start3A_42] : memref<2x128xi32, #tpu.memory_space<vmem>> -> memref<1x128xi32, #tpu.memory_space<vmem>>
    %dma_start3A_44 = tpu.memref_squeeze %dma_start3A_43 : memref<1x128xi32, #tpu.memory_space<vmem>> -> memref<128xi32, #tpu.memory_space<vmem>>
    %dma_start3A_45 = tpu.memref_slice %arg2[%select_n3A, %add3A_36] : memref<4x2048xi32, #tpu.memory_space<hbm>> -> memref<1x128xi32, #tpu.memory_space<hbm>>
    %dma_start3A_46 = tpu.memref_squeeze %dma_start3A_45 : memref<1x128xi32, #tpu.memory_space<hbm>> -> memref<128xi32, #tpu.memory_space<hbm>>
    tpu.enqueue_dma source(%dma_start3A_46 : memref<128xi32, #tpu.memory_space<hbm>>) target(%dma_start3A_44 : memref<128xi32, #tpu.memory_space<vmem>>) target_semaphore(%arg12 : memref<!tpu.dma_semaphore, #tpu.memory_space<semaphore_mem>>)
    %dma_start3A_47 = arith.constant 0 : i32
    %dma_start3A_48 = arith.constant 0 : i32
    %dma_start3A_49 = tpu.memref_slice %arg8[%dma_start3A_47, %dma_start3A_48] : memref<2x128xi32, #tpu.memory_space<vmem>> -> memref<1x128xi32, #tpu.memory_space<vmem>>
    %dma_start3A_50 = tpu.memref_squeeze %dma_start3A_49 : memref<1x128xi32, #tpu.memory_space<vmem>> -> memref<128xi32, #tpu.memory_space<vmem>>
    %dma_start3A_51 = tpu.memref_slice %arg3[%select_n3A, %add3A_36] : memref<4x2048xi32, #tpu.memory_space<hbm>> -> memref<1x128xi32, #tpu.memory_space<hbm>>
    %dma_start3A_52 = tpu.memref_squeeze %dma_start3A_51 : memref<1x128xi32, #tpu.memory_space<hbm>> -> memref<128xi32, #tpu.memory_space<hbm>>
    %dma_start3A_53 = arith.constant 0 : i32
    %dma_start3A_54 = tpu.memref_slice %arg8[%dma_start3A_47, %dma_start3A_53] : memref<2x128xi32, #tpu.memory_space<vmem>> -> memref<1x128xi32, #tpu.memory_space<vmem>>
    %dma_start3A_55 = tpu.memref_squeeze %dma_start3A_54 : memref<1x128xi32, #tpu.memory_space<vmem>> -> memref<128xi32, #tpu.memory_space<vmem>>
    %dma_start3A_56 = tpu.memref_slice %arg3[%select_n3A, %add3A_36] : memref<4x2048xi32, #tpu.memory_space<hbm>> -> memref<1x128xi32, #tpu.memory_space<hbm>>
    %dma_start3A_57 = tpu.memref_squeeze %dma_start3A_56 : memref<1x128xi32, #tpu.memory_space<hbm>> -> memref<128xi32, #tpu.memory_space<hbm>>
    tpu.enqueue_dma source(%dma_start3A_57 : memref<128xi32, #tpu.memory_space<hbm>>) target(%dma_start3A_55 : memref<128xi32, #tpu.memory_space<vmem>>) target_semaphore(%arg14 : memref<!tpu.dma_semaphore, #tpu.memory_space<semaphore_mem>>)
    %add3A_58 = arith.constant 128 : i32
    %add3A_59 = arith.addi %mul3A_34, %add3A_58 : i32
    %dma_start3A_60 = arith.constant 1 : i32
    %dma_start3A_61 = arith.constant 0 : i32
    %dma_start3A_62 = tpu.memref_slice %arg7[%dma_start3A_60, %dma_start3A_61] : memref<2x128xi32, #tpu.memory_space<vmem>> -> memref<1x128xi32, #tpu.memory_space<vmem>>
    %dma_start3A_63 = tpu.memref_squeeze %dma_start3A_62 : memref<1x128xi32, #tpu.memory_space<vmem>> -> memref<128xi32, #tpu.memory_space<vmem>>
    %dma_start3A_64 = tpu.memref_slice %arg2[%select_n3A, %add3A_59] : memref<4x2048xi32, #tpu.memory_space<hbm>> -> memref<1x128xi32, #tpu.memory_space<hbm>>
    %dma_start3A_65 = tpu.memref_squeeze %dma_start3A_64 : memref<1x128xi32, #tpu.memory_space<hbm>> -> memref<128xi32, #tpu.memory_space<hbm>>
    %dma_start3A_66 = arith.constant 0 : i32
    %dma_start3A_67 = tpu.memref_slice %arg7[%dma_start3A_60, %dma_start3A_66] : memref<2x128xi32, #tpu.memory_space<vmem>> -> memref<1x128xi32, #tpu.memory_space<vmem>>
    %dma_start3A_68 = tpu.memref_squeeze %dma_start3A_67 : memref<1x128xi32, #tpu.memory_space<vmem>> -> memref<128xi32, #tpu.memory_space<vmem>>
    %dma_start3A_69 = tpu.memref_slice %arg2[%select_n3A, %add3A_59] : memref<4x2048xi32, #tpu.memory_space<hbm>> -> memref<1x128xi32, #tpu.memory_space<hbm>>
    %dma_start3A_70 = tpu.memref_squeeze %dma_start3A_69 : memref<1x128xi32, #tpu.memory_space<hbm>> -> memref<128xi32, #tpu.memory_space<hbm>>
    tpu.enqueue_dma source(%dma_start3A_70 : memref<128xi32, #tpu.memory_space<hbm>>) target(%dma_start3A_68 : memref<128xi32, #tpu.memory_space<vmem>>) target_semaphore(%arg13 : memref<!tpu.dma_semaphore, #tpu.memory_space<semaphore_mem>>)
    %dma_start3A_71 = arith.constant 1 : i32
    %dma_start3A_72 = arith.constant 0 : i32
    %dma_start3A_73 = tpu.memref_slice %arg8[%dma_start3A_71, %dma_start3A_72] : memref<2x128xi32, #tpu.memory_space<vmem>> -> memref<1x128xi32, #tpu.memory_space<vmem>>
    %dma_start3A_74 = tpu.memref_squeeze %dma_start3A_73 : memref<1x128xi32, #tpu.memory_space<vmem>> -> memref<128xi32, #tpu.memory_space<vmem>>
    %dma_start3A_75 = tpu.memref_slice %arg3[%select_n3A, %add3A_59] : memref<4x2048xi32, #tpu.memory_space<hbm>> -> memref<1x128xi32, #tpu.memory_space<hbm>>
    %dma_start3A_76 = tpu.memref_squeeze %dma_start3A_75 : memref<1x128xi32, #tpu.memory_space<hbm>> -> memref<128xi32, #tpu.memory_space<hbm>>
    %dma_start3A_77 = arith.constant 0 : i32
    %dma_start3A_78 = tpu.memref_slice %arg8[%dma_start3A_71, %dma_start3A_77] : memref<2x128xi32, #tpu.memory_space<vmem>> -> memref<1x128xi32, #tpu.memory_space<vmem>>
    %dma_start3A_79 = tpu.memref_squeeze %dma_start3A_78 : memref<1x128xi32, #tpu.memory_space<vmem>> -> memref<128xi32, #tpu.memory_space<vmem>>
    %dma_start3A_80 = tpu.memref_slice %arg3[%select_n3A, %add3A_59] : memref<4x2048xi32, #tpu.memory_space<hbm>> -> memref<1x128xi32, #tpu.memory_space<hbm>>
    %dma_start3A_81 = tpu.memref_squeeze %dma_start3A_80 : memref<1x128xi32, #tpu.memory_space<hbm>> -> memref<128xi32, #tpu.memory_space<hbm>>
    tpu.enqueue_dma source(%dma_start3A_81 : memref<128xi32, #tpu.memory_space<hbm>>) target(%dma_start3A_79 : memref<128xi32, #tpu.memory_space<vmem>>) target_semaphore(%arg15 : memref<!tpu.dma_semaphore, #tpu.memory_space<semaphore_mem>>)
    %eq3A_82 = arith.constant 0 : i32
    %eq3A_83 = arith.cmpi eq, %arg1, %eq3A_82 : i32
    %convert_element_type3A = arith.extui %eq3A_83 : i1 to i32
    %cond3A = arith.constant 0 : i32
    %cond3A_84 = arith.cmpi ne, %convert_element_type3A, %cond3A : i32
    scf.if %cond3A_84 {
      "tpu.region"() ({
        %run_scoped3A = tpu.sem_alloc : memref<!tpu.dma_semaphore, #tpu.memory_space<semaphore_mem>>
        tpu.enqueue_dma source(%arg5 : memref<2048x128xf32, #tpu.memory_space<hbm>>) target(%arg11 : memref<2048x128xf32, #tpu.memory_space<vmem_shared>>) target_semaphore(%run_scoped3A : memref<!tpu.dma_semaphore, #tpu.memory_space<semaphore_mem>>)
        tpu.wait_dma2 semaphore(%run_scoped3A : memref<!tpu.dma_semaphore, #tpu.memory_space<semaphore_mem>>) src(%arg5 : memref<2048x128xf32, #tpu.memory_space<hbm>>) dst(%arg11 : memref<2048x128xf32, #tpu.memory_space<vmem_shared>>)
        tpu.yield
      }) : () -> ()
    } else {
    }
    %dma_wait3A = arith.constant 0 : i32
    %dma_wait3A_85 = arith.constant 0 : i32
    %dma_wait3A_86 = tpu.memref_slice %arg7[%dma_wait3A, %dma_wait3A_85] : memref<2x128xi32, #tpu.memory_space<vmem>> -> memref<1x128xi32, #tpu.memory_space<vmem>>
    %dma_wait3A_87 = tpu.memref_squeeze %dma_wait3A_86 : memref<1x128xi32, #tpu.memory_space<vmem>> -> memref<128xi32, #tpu.memory_space<vmem>>
    %dma_wait3A_88 = tpu.memref_slice %arg2[%select_n3A, %add3A_36] : memref<4x2048xi32, #tpu.memory_space<hbm>> -> memref<1x128xi32, #tpu.memory_space<hbm>>
    %dma_wait3A_89 = tpu.memref_squeeze %dma_wait3A_88 : memref<1x128xi32, #tpu.memory_space<hbm>> -> memref<128xi32, #tpu.memory_space<hbm>>
    %dma_wait3A_90 = arith.constant 0 : i32
    %dma_wait3A_91 = tpu.memref_slice %arg7[%dma_wait3A, %dma_wait3A_90] : memref<2x128xi32, #tpu.memory_space<vmem>> -> memref<1x128xi32, #tpu.memory_space<vmem>>
    %dma_wait3A_92 = tpu.memref_squeeze %dma_wait3A_91 : memref<1x128xi32, #tpu.memory_space<vmem>> -> memref<128xi32, #tpu.memory_space<vmem>>
    %dma_wait3A_93 = tpu.memref_slice %arg2[%select_n3A, %add3A_36] : memref<4x2048xi32, #tpu.memory_space<hbm>> -> memref<1x128xi32, #tpu.memory_space<hbm>>
    %dma_wait3A_94 = tpu.memref_squeeze %dma_wait3A_93 : memref<1x128xi32, #tpu.memory_space<hbm>> -> memref<128xi32, #tpu.memory_space<hbm>>
    tpu.wait_dma2 semaphore(%arg12 : memref<!tpu.dma_semaphore, #tpu.memory_space<semaphore_mem>>) src(%dma_wait3A_94 : memref<128xi32, #tpu.memory_space<hbm>>) dst(%dma_wait3A_92 : memref<128xi32, #tpu.memory_space<vmem>>)
    %dma_wait3A_95 = arith.constant 0 : i32
    %dma_wait3A_96 = arith.constant 0 : i32
    %dma_wait3A_97 = tpu.memref_slice %arg8[%dma_wait3A_95, %dma_wait3A_96] : memref<2x128xi32, #tpu.memory_space<vmem>> -> memref<1x128xi32, #tpu.memory_space<vmem>>
    %dma_wait3A_98 = tpu.memref_squeeze %dma_wait3A_97 : memref<1x128xi32, #tpu.memory_space<vmem>> -> memref<128xi32, #tpu.memory_space<vmem>>
    %dma_wait3A_99 = tpu.memref_slice %arg3[%select_n3A, %add3A_36] : memref<4x2048xi32, #tpu.memory_space<hbm>> -> memref<1x128xi32, #tpu.memory_space<hbm>>
    %dma_wait3A_100 = tpu.memref_squeeze %dma_wait3A_99 : memref<1x128xi32, #tpu.memory_space<hbm>> -> memref<128xi32, #tpu.memory_space<hbm>>
    %dma_wait3A_101 = arith.constant 0 : i32
    %dma_wait3A_102 = tpu.memref_slice %arg8[%dma_wait3A_95, %dma_wait3A_101] : memref<2x128xi32, #tpu.memory_space<vmem>> -> memref<1x128xi32, #tpu.memory_space<vmem>>
    %dma_wait3A_103 = tpu.memref_squeeze %dma_wait3A_102 : memref<1x128xi32, #tpu.memory_space<vmem>> -> memref<128xi32, #tpu.memory_space<vmem>>
    %dma_wait3A_104 = tpu.memref_slice %arg3[%select_n3A, %add3A_36] : memref<4x2048xi32, #tpu.memory_space<hbm>> -> memref<1x128xi32, #tpu.memory_space<hbm>>
    %dma_wait3A_105 = tpu.memref_squeeze %dma_wait3A_104 : memref<1x128xi32, #tpu.memory_space<hbm>> -> memref<128xi32, #tpu.memory_space<hbm>>
    tpu.wait_dma2 semaphore(%arg14 : memref<!tpu.dma_semaphore, #tpu.memory_space<semaphore_mem>>) src(%dma_wait3A_105 : memref<128xi32, #tpu.memory_space<hbm>>) dst(%dma_wait3A_103 : memref<128xi32, #tpu.memory_space<vmem>>)
    %dma_wait3A_106 = arith.constant 1 : i32
    %dma_wait3A_107 = arith.constant 0 : i32
    %dma_wait3A_108 = tpu.memref_slice %arg7[%dma_wait3A_106, %dma_wait3A_107] : memref<2x128xi32, #tpu.memory_space<vmem>> -> memref<1x128xi32, #tpu.memory_space<vmem>>
    %dma_wait3A_109 = tpu.memref_squeeze %dma_wait3A_108 : memref<1x128xi32, #tpu.memory_space<vmem>> -> memref<128xi32, #tpu.memory_space<vmem>>
    %dma_wait3A_110 = tpu.memref_slice %arg2[%select_n3A, %add3A_59] : memref<4x2048xi32, #tpu.memory_space<hbm>> -> memref<1x128xi32, #tpu.memory_space<hbm>>
    %dma_wait3A_111 = tpu.memref_squeeze %dma_wait3A_110 : memref<1x128xi32, #tpu.memory_space<hbm>> -> memref<128xi32, #tpu.memory_space<hbm>>
    %dma_wait3A_112 = arith.constant 0 : i32
    %dma_wait3A_113 = tpu.memref_slice %arg7[%dma_wait3A_106, %dma_wait3A_112] : memref<2x128xi32, #tpu.memory_space<vmem>> -> memref<1x128xi32, #tpu.memory_space<vmem>>
    %dma_wait3A_114 = tpu.memref_squeeze %dma_wait3A_113 : memref<1x128xi32, #tpu.memory_space<vmem>> -> memref<128xi32, #tpu.memory_space<vmem>>
    %dma_wait3A_115 = tpu.memref_slice %arg2[%select_n3A, %add3A_59] : memref<4x2048xi32, #tpu.memory_space<hbm>> -> memref<1x128xi32, #tpu.memory_space<hbm>>
    %dma_wait3A_116 = tpu.memref_squeeze %dma_wait3A_115 : memref<1x128xi32, #tpu.memory_space<hbm>> -> memref<128xi32, #tpu.memory_space<hbm>>
    tpu.wait_dma2 semaphore(%arg13 : memref<!tpu.dma_semaphore, #tpu.memory_space<semaphore_mem>>) src(%dma_wait3A_116 : memref<128xi32, #tpu.memory_space<hbm>>) dst(%dma_wait3A_114 : memref<128xi32, #tpu.memory_space<vmem>>)
    %dma_wait3A_117 = arith.constant 1 : i32
    %dma_wait3A_118 = arith.constant 0 : i32
    %dma_wait3A_119 = tpu.memref_slice %arg8[%dma_wait3A_117, %dma_wait3A_118] : memref<2x128xi32, #tpu.memory_space<vmem>> -> memref<1x128xi32, #tpu.memory_space<vmem>>
    %dma_wait3A_120 = tpu.memref_squeeze %dma_wait3A_119 : memref<1x128xi32, #tpu.memory_space<vmem>> -> memref<128xi32, #tpu.memory_space<vmem>>
    %dma_wait3A_121 = tpu.memref_slice %arg3[%select_n3A, %add3A_59] : memref<4x2048xi32, #tpu.memory_space<hbm>> -> memref<1x128xi32, #tpu.memory_space<hbm>>
    %dma_wait3A_122 = tpu.memref_squeeze %dma_wait3A_121 : memref<1x128xi32, #tpu.memory_space<hbm>> -> memref<128xi32, #tpu.memory_space<hbm>>
    %dma_wait3A_123 = arith.constant 0 : i32
    %dma_wait3A_124 = tpu.memref_slice %arg8[%dma_wait3A_117, %dma_wait3A_123] : memref<2x128xi32, #tpu.memory_space<vmem>> -> memref<1x128xi32, #tpu.memory_space<vmem>>
    %dma_wait3A_125 = tpu.memref_squeeze %dma_wait3A_124 : memref<1x128xi32, #tpu.memory_space<vmem>> -> memref<128xi32, #tpu.memory_space<vmem>>
    %dma_wait3A_126 = tpu.memref_slice %arg3[%select_n3A, %add3A_59] : memref<4x2048xi32, #tpu.memory_space<hbm>> -> memref<1x128xi32, #tpu.memory_space<hbm>>
    %dma_wait3A_127 = tpu.memref_squeeze %dma_wait3A_126 : memref<1x128xi32, #tpu.memory_space<hbm>> -> memref<128xi32, #tpu.memory_space<hbm>>
    tpu.wait_dma2 semaphore(%arg15 : memref<!tpu.dma_semaphore, #tpu.memory_space<semaphore_mem>>) src(%dma_wait3A_127 : memref<128xi32, #tpu.memory_space<hbm>>) dst(%dma_wait3A_125 : memref<128xi32, #tpu.memory_space<vmem>>)
    %dma_start3A_128 = arith.constant 0 : i32
    %dma_start3A_129 = arith.constant 0 : i32
    %dma_start3A_130 = arith.constant 0 : i32
    %dma_start3A_131 = tpu.memref_slice %arg9[%dma_start3A_129, %dma_start3A_130] : memref<256x128xf32, #tpu.memory_space<vmem>> -> memref<128x128xf32, #tpu.memory_space<vmem>>
    %dma_start3A_132 = arith.constant 0 : i32
    %dma_start3A_133 = tpu.memref_slice %arg7[%dma_start3A_128, %dma_start3A_132] : memref<2x128xi32, #tpu.memory_space<vmem>> -> memref<1x128xi32, #tpu.memory_space<vmem>>
    %dma_start3A_134 = tpu.memref_squeeze %dma_start3A_133 : memref<1x128xi32, #tpu.memory_space<vmem>> -> memref<128xi32, #tpu.memory_space<vmem>>
    %dma_start3A_135 = arith.constant 0 : i32
    %dma_start3A_136 = arith.constant 0 : i32
    %dma_start3A_137 = tpu.memref_slice %arg4[%dma_start3A_135, %dma_start3A_136] : memref<100000x128xf32, #tpu.memory_space<hbm>> -> memref<100000x128xf32, #tpu.memory_space<hbm>>
    tpu.enqueue_indirect_dma source(%dma_start3A_137 : memref<100000x128xf32, #tpu.memory_space<hbm>>) target(%dma_start3A_131 : memref<128x128xf32, #tpu.memory_space<vmem>>) offsets(%dma_start3A_134 : memref<128xi32, #tpu.memory_space<vmem>>) semaphore(%arg12 : memref<!tpu.dma_semaphore, #tpu.memory_space<semaphore_mem>>)
    %dma_start3A_138 = arith.constant 1 : i32
    %dma_start3A_139 = arith.constant 128 : i32
    %dma_start3A_140 = arith.constant 0 : i32
    %dma_start3A_141 = tpu.memref_slice %arg9[%dma_start3A_139, %dma_start3A_140] : memref<256x128xf32, #tpu.memory_space<vmem>> -> memref<128x128xf32, #tpu.memory_space<vmem>>
    %dma_start3A_142 = arith.constant 0 : i32
    %dma_start3A_143 = tpu.memref_slice %arg7[%dma_start3A_138, %dma_start3A_142] : memref<2x128xi32, #tpu.memory_space<vmem>> -> memref<1x128xi32, #tpu.memory_space<vmem>>
    %dma_start3A_144 = tpu.memref_squeeze %dma_start3A_143 : memref<1x128xi32, #tpu.memory_space<vmem>> -> memref<128xi32, #tpu.memory_space<vmem>>
    %dma_start3A_145 = arith.constant 0 : i32
    %dma_start3A_146 = arith.constant 0 : i32
    %dma_start3A_147 = tpu.memref_slice %arg4[%dma_start3A_145, %dma_start3A_146] : memref<100000x128xf32, #tpu.memory_space<hbm>> -> memref<100000x128xf32, #tpu.memory_space<hbm>>
    tpu.enqueue_indirect_dma source(%dma_start3A_147 : memref<100000x128xf32, #tpu.memory_space<hbm>>) target(%dma_start3A_141 : memref<128x128xf32, #tpu.memory_space<vmem>>) offsets(%dma_start3A_144 : memref<128xi32, #tpu.memory_space<vmem>>) semaphore(%arg13 : memref<!tpu.dma_semaphore, #tpu.memory_space<semaphore_mem>>)
    %barrier3A = arith.constant 0 : index
    tpu.barrier barrier_id(%barrier3A)
    %dma_start3A_148 = arith.constant 0 : i32
    %dma_start3A_149 = arith.constant 0 : i32
    %dma_start3A_150 = arith.constant 0 : i32
    %dma_start3A_151 = tpu.memref_slice %arg10[%dma_start3A_149, %dma_start3A_150] : memref<256x128xf32, #tpu.memory_space<vmem>> -> memref<128x128xf32, #tpu.memory_space<vmem>>
    %dma_start3A_152 = arith.constant 0 : i32
    %dma_start3A_153 = tpu.memref_slice %arg8[%dma_start3A_148, %dma_start3A_152] : memref<2x128xi32, #tpu.memory_space<vmem>> -> memref<1x128xi32, #tpu.memory_space<vmem>>
    %dma_start3A_154 = tpu.memref_squeeze %dma_start3A_153 : memref<1x128xi32, #tpu.memory_space<vmem>> -> memref<128xi32, #tpu.memory_space<vmem>>
    %dma_start3A_155 = arith.constant 0 : i32
    %dma_start3A_156 = arith.constant 0 : i32
    %dma_start3A_157 = tpu.memref_slice %arg11[%dma_start3A_155, %dma_start3A_156] : memref<2048x128xf32, #tpu.memory_space<vmem_shared>> -> memref<2048x128xf32, #tpu.memory_space<vmem_shared>>
    tpu.enqueue_indirect_dma source(%dma_start3A_157 : memref<2048x128xf32, #tpu.memory_space<vmem_shared>>) target(%dma_start3A_151 : memref<128x128xf32, #tpu.memory_space<vmem>>) offsets(%dma_start3A_154 : memref<128xi32, #tpu.memory_space<vmem>>) semaphore(%arg14 : memref<!tpu.dma_semaphore, #tpu.memory_space<semaphore_mem>>)
    %dma_start3A_158 = arith.constant 1 : i32
    %dma_start3A_159 = arith.constant 128 : i32
    %dma_start3A_160 = arith.constant 0 : i32
    %dma_start3A_161 = tpu.memref_slice %arg10[%dma_start3A_159, %dma_start3A_160] : memref<256x128xf32, #tpu.memory_space<vmem>> -> memref<128x128xf32, #tpu.memory_space<vmem>>
    %dma_start3A_162 = arith.constant 0 : i32
    %dma_start3A_163 = tpu.memref_slice %arg8[%dma_start3A_158, %dma_start3A_162] : memref<2x128xi32, #tpu.memory_space<vmem>> -> memref<1x128xi32, #tpu.memory_space<vmem>>
    %dma_start3A_164 = tpu.memref_squeeze %dma_start3A_163 : memref<1x128xi32, #tpu.memory_space<vmem>> -> memref<128xi32, #tpu.memory_space<vmem>>
    %dma_start3A_165 = arith.constant 0 : i32
    %dma_start3A_166 = arith.constant 0 : i32
    %dma_start3A_167 = tpu.memref_slice %arg11[%dma_start3A_165, %dma_start3A_166] : memref<2048x128xf32, #tpu.memory_space<vmem_shared>> -> memref<2048x128xf32, #tpu.memory_space<vmem_shared>>
    tpu.enqueue_indirect_dma source(%dma_start3A_167 : memref<2048x128xf32, #tpu.memory_space<vmem_shared>>) target(%dma_start3A_161 : memref<128x128xf32, #tpu.memory_space<vmem>>) offsets(%dma_start3A_164 : memref<128xi32, #tpu.memory_space<vmem>>) semaphore(%arg15 : memref<!tpu.dma_semaphore, #tpu.memory_space<semaphore_mem>>)
    %dma_wait3A_168 = arith.constant 0 : i32
    %dma_wait3A_169 = arith.constant 0 : i32
    %dma_wait3A_170 = arith.constant 0 : i32
    %dma_wait3A_171 = tpu.memref_slice %arg9[%dma_wait3A_169, %dma_wait3A_170] : memref<256x128xf32, #tpu.memory_space<vmem>> -> memref<128x128xf32, #tpu.memory_space<vmem>>
    %dma_wait3A_172 = arith.constant 0 : i32
    %dma_wait3A_173 = tpu.memref_slice %arg7[%dma_wait3A_168, %dma_wait3A_172] : memref<2x128xi32, #tpu.memory_space<vmem>> -> memref<1x128xi32, #tpu.memory_space<vmem>>
    %dma_wait3A_174 = tpu.memref_squeeze %dma_wait3A_173 : memref<1x128xi32, #tpu.memory_space<vmem>> -> memref<128xi32, #tpu.memory_space<vmem>>
    %dma_wait3A_175 = arith.constant 0 : i32
    %dma_wait3A_176 = arith.constant 0 : i32
    %dma_wait3A_177 = tpu.memref_slice %arg4[%dma_wait3A_175, %dma_wait3A_176] : memref<100000x128xf32, #tpu.memory_space<hbm>> -> memref<100000x128xf32, #tpu.memory_space<hbm>>
    tpu.wait_indirect_dma semaphore(%arg12 : memref<!tpu.dma_semaphore, #tpu.memory_space<semaphore_mem>>) src(%dma_wait3A_177 : memref<100000x128xf32, #tpu.memory_space<hbm>>) dst(%dma_wait3A_171 : memref<128x128xf32, #tpu.memory_space<vmem>>)
    %dma_wait3A_178 = arith.constant 0 : i32
    %dma_wait3A_179 = arith.constant 0 : i32
    %dma_wait3A_180 = arith.constant 0 : i32
    %dma_wait3A_181 = tpu.memref_slice %arg10[%dma_wait3A_179, %dma_wait3A_180] : memref<256x128xf32, #tpu.memory_space<vmem>> -> memref<128x128xf32, #tpu.memory_space<vmem>>
    %dma_wait3A_182 = arith.constant 0 : i32
    %dma_wait3A_183 = tpu.memref_slice %arg8[%dma_wait3A_178, %dma_wait3A_182] : memref<2x128xi32, #tpu.memory_space<vmem>> -> memref<1x128xi32, #tpu.memory_space<vmem>>
    %dma_wait3A_184 = tpu.memref_squeeze %dma_wait3A_183 : memref<1x128xi32, #tpu.memory_space<vmem>> -> memref<128xi32, #tpu.memory_space<vmem>>
    %dma_wait3A_185 = arith.constant 0 : i32
    %dma_wait3A_186 = arith.constant 0 : i32
    %dma_wait3A_187 = tpu.memref_slice %arg11[%dma_wait3A_185, %dma_wait3A_186] : memref<2048x128xf32, #tpu.memory_space<vmem_shared>> -> memref<2048x128xf32, #tpu.memory_space<vmem_shared>>
    tpu.wait_indirect_dma semaphore(%arg14 : memref<!tpu.dma_semaphore, #tpu.memory_space<semaphore_mem>>) src(%dma_wait3A_187 : memref<2048x128xf32, #tpu.memory_space<vmem_shared>>) dst(%dma_wait3A_181 : memref<128x128xf32, #tpu.memory_space<vmem>>)
    %scan3A = arith.constant 0 : i32
    %scan3A_188 = arith.constant 0 : i32
    %scan3A_189 = arith.constant 64 : i32
    %scan3A_190 = arith.addi %scan3A_188, %scan3A_189 : i32
    %scan3A_191 = arith.constant 1 : i32
    scf.for %scan3A_263 = %scan3A_188 to %scan3A_190 step %scan3A_191  : i32 {
      %mul3A_264 = arith.constant 2 : i32
      %mul3A_265 = arith.muli %scan3A_263, %mul3A_264 : i32
      %add3A_266 = arith.constant 0 : i32
      %add3A_267 = arith.addi %mul3A_265, %add3A_266 : i32
      %mul3A_268 = arith.constant 2 : i32
      %mul3A_269 = arith.muli %scan3A_263, %mul3A_268 : i32
      %add3A_270 = arith.constant 0 : i32
      %add3A_271 = arith.addi %mul3A_269, %add3A_270 : i32
      %get3A = arith.index_cast %add3A_271 : i32 to index
      %get3A_272 = arith.constant 0 : index
      %get3A_273 = tpu.vector_load %arg10[%get3A, %get3A_272] {strides = array<i32>} : memref<256x128xf32, #tpu.memory_space<vmem>>, vector<1x16xf32>,
      %get3A_274 = vector.shape_cast %get3A_273 : vector<1x16xf32> to vector<16xf32>
      %swap3A = arith.index_cast %add3A_267 : i32 to index
      %swap3A_275 = arith.constant 0 : index
      %swap3A_276 = tpu.vector_load %arg9[%swap3A, %swap3A_275] {strides = array<i32>} : memref<256x128xf32, #tpu.memory_space<vmem>>, vector<1x16xf32>,
      %swap3A_277 = vector.shape_cast %swap3A_276 : vector<1x16xf32> to vector<16xf32>
      %swap3A_278 = vector.shape_cast %get3A_274 : vector<16xf32> to vector<1x16xf32>
      tpu.vector_store %arg9[%swap3A, %swap3A_275], %swap3A_278 {add = true, strides = array<i32>} : memref<256x128xf32, #tpu.memory_space<vmem>>, vector<1x16xf32>,
      %mul3A_279 = arith.constant 2 : i32
      %mul3A_280 = arith.muli %scan3A_263, %mul3A_279 : i32
      %add3A_281 = arith.constant 0 : i32
      %add3A_282 = arith.addi %mul3A_280, %add3A_281 : i32
      %mul3A_283 = arith.constant 2 : i32
      %mul3A_284 = arith.muli %scan3A_263, %mul3A_283 : i32
      %add3A_285 = arith.constant 0 : i32
      %add3A_286 = arith.addi %mul3A_284, %add3A_285 : i32
      %get3A_287 = arith.index_cast %add3A_286 : i32 to index
      %get3A_288 = arith.constant 16 : index
      %get3A_289 = tpu.vector_load %arg10[%get3A_287, %get3A_288] {strides = array<i32>} : memref<256x128xf32, #tpu.memory_space<vmem>>, vector<1x16xf32>,
      %get3A_290 = vector.shape_cast %get3A_289 : vector<1x16xf32> to vector<16xf32>
      %swap3A_291 = arith.index_cast %add3A_282 : i32 to index
      %swap3A_292 = arith.constant 16 : index
      %swap3A_293 = tpu.vector_load %arg9[%swap3A_291, %swap3A_292] {strides = array<i32>} : memref<256x128xf32, #tpu.memory_space<vmem>>, vector<1x16xf32>,
      %swap3A_294 = vector.shape_cast %swap3A_293 : vector<1x16xf32> to vector<16xf32>
      %swap3A_295 = vector.shape_cast %get3A_290 : vector<16xf32> to vector<1x16xf32>
      tpu.vector_store %arg9[%swap3A_291, %swap3A_292], %swap3A_295 {add = true, strides = array<i32>} : memref<256x128xf32, #tpu.memory_space<vmem>>, vector<1x16xf32>,
      %mul3A_296 = arith.constant 2 : i32
      %mul3A_297 = arith.muli %scan3A_263, %mul3A_296 : i32
      %add3A_298 = arith.constant 0 : i32
      %add3A_299 = arith.addi %mul3A_297, %add3A_298 : i32
      %mul3A_300 = arith.constant 2 : i32
      %mul3A_301 = arith.muli %scan3A_263, %mul3A_300 : i32
      %add3A_302 = arith.constant 0 : i32
      %add3A_303 = arith.addi %mul3A_301, %add3A_302 : i32
      %get3A_304 = arith.index_cast %add3A_303 : i32 to index
      %get3A_305 = arith.constant 32 : index
      %get3A_306 = tpu.vector_load %arg10[%get3A_304, %get3A_305] {strides = array<i32>} : memref<256x128xf32, #tpu.memory_space<vmem>>, vector<1x16xf32>,
      %get3A_307 = vector.shape_cast %get3A_306 : vector<1x16xf32> to vector<16xf32>
      %swap3A_308 = arith.index_cast %add3A_299 : i32 to index
      %swap3A_309 = arith.constant 32 : index
      %swap3A_310 = tpu.vector_load %arg9[%swap3A_308, %swap3A_309] {strides = array<i32>} : memref<256x128xf32, #tpu.memory_space<vmem>>, vector<1x16xf32>,
      %swap3A_311 = vector.shape_cast %swap3A_310 : vector<1x16xf32> to vector<16xf32>
      %swap3A_312 = vector.shape_cast %get3A_307 : vector<16xf32> to vector<1x16xf32>
      tpu.vector_store %arg9[%swap3A_308, %swap3A_309], %swap3A_312 {add = true, strides = array<i32>} : memref<256x128xf32, #tpu.memory_space<vmem>>, vector<1x16xf32>,
      %mul3A_313 = arith.constant 2 : i32
      %mul3A_314 = arith.muli %scan3A_263, %mul3A_313 : i32
      %add3A_315 = arith.constant 0 : i32
      %add3A_316 = arith.addi %mul3A_314, %add3A_315 : i32
      %mul3A_317 = arith.constant 2 : i32
      %mul3A_318 = arith.muli %scan3A_263, %mul3A_317 : i32
      %add3A_319 = arith.constant 0 : i32
      %add3A_320 = arith.addi %mul3A_318, %add3A_319 : i32
      %get3A_321 = arith.index_cast %add3A_320 : i32 to index
      %get3A_322 = arith.constant 48 : index
      %get3A_323 = tpu.vector_load %arg10[%get3A_321, %get3A_322] {strides = array<i32>} : memref<256x128xf32, #tpu.memory_space<vmem>>, vector<1x16xf32>,
      %get3A_324 = vector.shape_cast %get3A_323 : vector<1x16xf32> to vector<16xf32>
      %swap3A_325 = arith.index_cast %add3A_316 : i32 to index
      %swap3A_326 = arith.constant 48 : index
      %swap3A_327 = tpu.vector_load %arg9[%swap3A_325, %swap3A_326] {strides = array<i32>} : memref<256x128xf32, #tpu.memory_space<vmem>>, vector<1x16xf32>,
      %swap3A_328 = vector.shape_cast %swap3A_327 : vector<1x16xf32> to vector<16xf32>
      %swap3A_329 = vector.shape_cast %get3A_324 : vector<16xf32> to vector<1x16xf32>
      tpu.vector_store %arg9[%swap3A_325, %swap3A_326], %swap3A_329 {add = true, strides = array<i32>} : memref<256x128xf32, #tpu.memory_space<vmem>>, vector<1x16xf32>,
      %mul3A_330 = arith.constant 2 : i32
      %mul3A_331 = arith.muli %scan3A_263, %mul3A_330 : i32
      %add3A_332 = arith.constant 0 : i32
      %add3A_333 = arith.addi %mul3A_331, %add3A_332 : i32
      %mul3A_334 = arith.constant 2 : i32
      %mul3A_335 = arith.muli %scan3A_263, %mul3A_334 : i32
      %add3A_336 = arith.constant 0 : i32
      %add3A_337 = arith.addi %mul3A_335, %add3A_336 : i32
      %get3A_338 = arith.index_cast %add3A_337 : i32 to index
      %get3A_339 = arith.constant 64 : index
      %get3A_340 = tpu.vector_load %arg10[%get3A_338, %get3A_339] {strides = array<i32>} : memref<256x128xf32, #tpu.memory_space<vmem>>, vector<1x16xf32>,
      %get3A_341 = vector.shape_cast %get3A_340 : vector<1x16xf32> to vector<16xf32>
      %swap3A_342 = arith.index_cast %add3A_333 : i32 to index
      %swap3A_343 = arith.constant 64 : index
      %swap3A_344 = tpu.vector_load %arg9[%swap3A_342, %swap3A_343] {strides = array<i32>} : memref<256x128xf32, #tpu.memory_space<vmem>>, vector<1x16xf32>,
      %swap3A_345 = vector.shape_cast %swap3A_344 : vector<1x16xf32> to vector<16xf32>
      %swap3A_346 = vector.shape_cast %get3A_341 : vector<16xf32> to vector<1x16xf32>
      tpu.vector_store %arg9[%swap3A_342, %swap3A_343], %swap3A_346 {add = true, strides = array<i32>} : memref<256x128xf32, #tpu.memory_space<vmem>>, vector<1x16xf32>,
      %mul3A_347 = arith.constant 2 : i32
      %mul3A_348 = arith.muli %scan3A_263, %mul3A_347 : i32
      %add3A_349 = arith.constant 0 : i32
      %add3A_350 = arith.addi %mul3A_348, %add3A_349 : i32
      %mul3A_351 = arith.constant 2 : i32
      %mul3A_352 = arith.muli %scan3A_263, %mul3A_351 : i32
      %add3A_353 = arith.constant 0 : i32
      %add3A_354 = arith.addi %mul3A_352, %add3A_353 : i32
      %get3A_355 = arith.index_cast %add3A_354 : i32 to index
      %get3A_356 = arith.constant 80 : index
      %get3A_357 = tpu.vector_load %arg10[%get3A_355, %get3A_356] {strides = array<i32>} : memref<256x128xf32, #tpu.memory_space<vmem>>, vector<1x16xf32>,
      %get3A_358 = vector.shape_cast %get3A_357 : vector<1x16xf32> to vector<16xf32>
      %swap3A_359 = arith.index_cast %add3A_350 : i32 to index
      %swap3A_360 = arith.constant 80 : index
      %swap3A_361 = tpu.vector_load %arg9[%swap3A_359, %swap3A_360] {strides = array<i32>} : memref<256x128xf32, #tpu.memory_space<vmem>>, vector<1x16xf32>,
      %swap3A_362 = vector.shape_cast %swap3A_361 : vector<1x16xf32> to vector<16xf32>
      %swap3A_363 = vector.shape_cast %get3A_358 : vector<16xf32> to vector<1x16xf32>
      tpu.vector_store %arg9[%swap3A_359, %swap3A_360], %swap3A_363 {add = true, strides = array<i32>} : memref<256x128xf32, #tpu.memory_space<vmem>>, vector<1x16xf32>,
      %mul3A_364 = arith.constant 2 : i32
      %mul3A_365 = arith.muli %scan3A_263, %mul3A_364 : i32
      %add3A_366 = arith.constant 0 : i32
      %add3A_367 = arith.addi %mul3A_365, %add3A_366 : i32
      %mul3A_368 = arith.constant 2 : i32
      %mul3A_369 = arith.muli %scan3A_263, %mul3A_368 : i32
      %add3A_370 = arith.constant 0 : i32
      %add3A_371 = arith.addi %mul3A_369, %add3A_370 : i32
      %get3A_372 = arith.index_cast %add3A_371 : i32 to index
      %get3A_373 = arith.constant 96 : index
      %get3A_374 = tpu.vector_load %arg10[%get3A_372, %get3A_373] {strides = array<i32>} : memref<256x128xf32, #tpu.memory_space<vmem>>, vector<1x16xf32>,
      %get3A_375 = vector.shape_cast %get3A_374 : vector<1x16xf32> to vector<16xf32>
      %swap3A_376 = arith.index_cast %add3A_367 : i32 to index
      %swap3A_377 = arith.constant 96 : index
      %swap3A_378 = tpu.vector_load %arg9[%swap3A_376, %swap3A_377] {strides = array<i32>} : memref<256x128xf32, #tpu.memory_space<vmem>>, vector<1x16xf32>,
      %swap3A_379 = vector.shape_cast %swap3A_378 : vector<1x16xf32> to vector<16xf32>
      %swap3A_380 = vector.shape_cast %get3A_375 : vector<16xf32> to vector<1x16xf32>
      tpu.vector_store %arg9[%swap3A_376, %swap3A_377], %swap3A_380 {add = true, strides = array<i32>} : memref<256x128xf32, #tpu.memory_space<vmem>>, vector<1x16xf32>,
      %mul3A_381 = arith.constant 2 : i32
      %mul3A_382 = arith.muli %scan3A_263, %mul3A_381 : i32
      %add3A_383 = arith.constant 0 : i32
      %add3A_384 = arith.addi %mul3A_382, %add3A_383 : i32
      %mul3A_385 = arith.constant 2 : i32
      %mul3A_386 = arith.muli %scan3A_263, %mul3A_385 : i32
      %add3A_387 = arith.constant 0 : i32
      %add3A_388 = arith.addi %mul3A_386, %add3A_387 : i32
      %get3A_389 = arith.index_cast %add3A_388 : i32 to index
      %get3A_390 = arith.constant 112 : index
      %get3A_391 = tpu.vector_load %arg10[%get3A_389, %get3A_390] {strides = array<i32>} : memref<256x128xf32, #tpu.memory_space<vmem>>, vector<1x16xf32>,
      %get3A_392 = vector.shape_cast %get3A_391 : vector<1x16xf32> to vector<16xf32>
      %swap3A_393 = arith.index_cast %add3A_384 : i32 to index
      %swap3A_394 = arith.constant 112 : index
      %swap3A_395 = tpu.vector_load %arg9[%swap3A_393, %swap3A_394] {strides = array<i32>} : memref<256x128xf32, #tpu.memory_space<vmem>>, vector<1x16xf32>,
      %swap3A_396 = vector.shape_cast %swap3A_395 : vector<1x16xf32> to vector<16xf32>
      %swap3A_397 = vector.shape_cast %get3A_392 : vector<16xf32> to vector<1x16xf32>
      tpu.vector_store %arg9[%swap3A_393, %swap3A_394], %swap3A_397 {add = true, strides = array<i32>} : memref<256x128xf32, #tpu.memory_space<vmem>>, vector<1x16xf32>,
      %mul3A_398 = arith.constant 2 : i32
      %mul3A_399 = arith.muli %scan3A_263, %mul3A_398 : i32
      %add3A_400 = arith.constant 1 : i32
      %add3A_401 = arith.addi %mul3A_399, %add3A_400 : i32
      %mul3A_402 = arith.constant 2 : i32
      %mul3A_403 = arith.muli %scan3A_263, %mul3A_402 : i32
      %add3A_404 = arith.constant 1 : i32
      %add3A_405 = arith.addi %mul3A_403, %add3A_404 : i32
      %get3A_406 = arith.index_cast %add3A_405 : i32 to index
      %get3A_407 = arith.constant 0 : index
      %get3A_408 = tpu.vector_load %arg10[%get3A_406, %get3A_407] {strides = array<i32>} : memref<256x128xf32, #tpu.memory_space<vmem>>, vector<1x16xf32>,
      %get3A_409 = vector.shape_cast %get3A_408 : vector<1x16xf32> to vector<16xf32>
      %swap3A_410 = arith.index_cast %add3A_401 : i32 to index
      %swap3A_411 = arith.constant 0 : index
      %swap3A_412 = tpu.vector_load %arg9[%swap3A_410, %swap3A_411] {strides = array<i32>} : memref<256x128xf32, #tpu.memory_space<vmem>>, vector<1x16xf32>,
      %swap3A_413 = vector.shape_cast %swap3A_412 : vector<1x16xf32> to vector<16xf32>
      %swap3A_414 = vector.shape_cast %get3A_409 : vector<16xf32> to vector<1x16xf32>
      tpu.vector_store %arg9[%swap3A_410, %swap3A_411], %swap3A_414 {add = true, strides = array<i32>} : memref<256x128xf32, #tpu.memory_space<vmem>>, vector<1x16xf32>,
      %mul3A_415 = arith.constant 2 : i32
      %mul3A_416 = arith.muli %scan3A_263, %mul3A_415 : i32
      %add3A_417 = arith.constant 1 : i32
      %add3A_418 = arith.addi %mul3A_416, %add3A_417 : i32
      %mul3A_419 = arith.constant 2 : i32
      %mul3A_420 = arith.muli %scan3A_263, %mul3A_419 : i32
      %add3A_421 = arith.constant 1 : i32
      %add3A_422 = arith.addi %mul3A_420, %add3A_421 : i32
      %get3A_423 = arith.index_cast %add3A_422 : i32 to index
      %get3A_424 = arith.constant 16 : index
      %get3A_425 = tpu.vector_load %arg10[%get3A_423, %get3A_424] {strides = array<i32>} : memref<256x128xf32, #tpu.memory_space<vmem>>, vector<1x16xf32>,
      %get3A_426 = vector.shape_cast %get3A_425 : vector<1x16xf32> to vector<16xf32>
      %swap3A_427 = arith.index_cast %add3A_418 : i32 to index
      %swap3A_428 = arith.constant 16 : index
      %swap3A_429 = tpu.vector_load %arg9[%swap3A_427, %swap3A_428] {strides = array<i32>} : memref<256x128xf32, #tpu.memory_space<vmem>>, vector<1x16xf32>,
      %swap3A_430 = vector.shape_cast %swap3A_429 : vector<1x16xf32> to vector<16xf32>
      %swap3A_431 = vector.shape_cast %get3A_426 : vector<16xf32> to vector<1x16xf32>
      tpu.vector_store %arg9[%swap3A_427, %swap3A_428], %swap3A_431 {add = true, strides = array<i32>} : memref<256x128xf32, #tpu.memory_space<vmem>>, vector<1x16xf32>,
      %mul3A_432 = arith.constant 2 : i32
      %mul3A_433 = arith.muli %scan3A_263, %mul3A_432 : i32
      %add3A_434 = arith.constant 1 : i32
      %add3A_435 = arith.addi %mul3A_433, %add3A_434 : i32
      %mul3A_436 = arith.constant 2 : i32
      %mul3A_437 = arith.muli %scan3A_263, %mul3A_436 : i32
      %add3A_438 = arith.constant 1 : i32
      %add3A_439 = arith.addi %mul3A_437, %add3A_438 : i32
      %get3A_440 = arith.index_cast %add3A_439 : i32 to index
      %get3A_441 = arith.constant 32 : index
      %get3A_442 = tpu.vector_load %arg10[%get3A_440, %get3A_441] {strides = array<i32>} : memref<256x128xf32, #tpu.memory_space<vmem>>, vector<1x16xf32>,
      %get3A_443 = vector.shape_cast %get3A_442 : vector<1x16xf32> to vector<16xf32>
      %swap3A_444 = arith.index_cast %add3A_435 : i32 to index
      %swap3A_445 = arith.constant 32 : index
      %swap3A_446 = tpu.vector_load %arg9[%swap3A_444, %swap3A_445] {strides = array<i32>} : memref<256x128xf32, #tpu.memory_space<vmem>>, vector<1x16xf32>,
      %swap3A_447 = vector.shape_cast %swap3A_446 : vector<1x16xf32> to vector<16xf32>
      %swap3A_448 = vector.shape_cast %get3A_443 : vector<16xf32> to vector<1x16xf32>
      tpu.vector_store %arg9[%swap3A_444, %swap3A_445], %swap3A_448 {add = true, strides = array<i32>} : memref<256x128xf32, #tpu.memory_space<vmem>>, vector<1x16xf32>,
      %mul3A_449 = arith.constant 2 : i32
      %mul3A_450 = arith.muli %scan3A_263, %mul3A_449 : i32
      %add3A_451 = arith.constant 1 : i32
      %add3A_452 = arith.addi %mul3A_450, %add3A_451 : i32
      %mul3A_453 = arith.constant 2 : i32
      %mul3A_454 = arith.muli %scan3A_263, %mul3A_453 : i32
      %add3A_455 = arith.constant 1 : i32
      %add3A_456 = arith.addi %mul3A_454, %add3A_455 : i32
      %get3A_457 = arith.index_cast %add3A_456 : i32 to index
      %get3A_458 = arith.constant 48 : index
      %get3A_459 = tpu.vector_load %arg10[%get3A_457, %get3A_458] {strides = array<i32>} : memref<256x128xf32, #tpu.memory_space<vmem>>, vector<1x16xf32>,
      %get3A_460 = vector.shape_cast %get3A_459 : vector<1x16xf32> to vector<16xf32>
      %swap3A_461 = arith.index_cast %add3A_452 : i32 to index
      %swap3A_462 = arith.constant 48 : index
      %swap3A_463 = tpu.vector_load %arg9[%swap3A_461, %swap3A_462] {strides = array<i32>} : memref<256x128xf32, #tpu.memory_space<vmem>>, vector<1x16xf32>,
      %swap3A_464 = vector.shape_cast %swap3A_463 : vector<1x16xf32> to vector<16xf32>
      %swap3A_465 = vector.shape_cast %get3A_460 : vector<16xf32> to vector<1x16xf32>
      tpu.vector_store %arg9[%swap3A_461, %swap3A_462], %swap3A_465 {add = true, strides = array<i32>} : memref<256x128xf32, #tpu.memory_space<vmem>>, vector<1x16xf32>,
      %mul3A_466 = arith.constant 2 : i32
      %mul3A_467 = arith.muli %scan3A_263, %mul3A_466 : i32
      %add3A_468 = arith.constant 1 : i32
      %add3A_469 = arith.addi %mul3A_467, %add3A_468 : i32
      %mul3A_470 = arith.constant 2 : i32
      %mul3A_471 = arith.muli %scan3A_263, %mul3A_470 : i32
      %add3A_472 = arith.constant 1 : i32
      %add3A_473 = arith.addi %mul3A_471, %add3A_472 : i32
      %get3A_474 = arith.index_cast %add3A_473 : i32 to index
      %get3A_475 = arith.constant 64 : index
      %get3A_476 = tpu.vector_load %arg10[%get3A_474, %get3A_475] {strides = array<i32>} : memref<256x128xf32, #tpu.memory_space<vmem>>, vector<1x16xf32>,
      %get3A_477 = vector.shape_cast %get3A_476 : vector<1x16xf32> to vector<16xf32>
      %swap3A_478 = arith.index_cast %add3A_469 : i32 to index
      %swap3A_479 = arith.constant 64 : index
      %swap3A_480 = tpu.vector_load %arg9[%swap3A_478, %swap3A_479] {strides = array<i32>} : memref<256x128xf32, #tpu.memory_space<vmem>>, vector<1x16xf32>,
      %swap3A_481 = vector.shape_cast %swap3A_480 : vector<1x16xf32> to vector<16xf32>
      %swap3A_482 = vector.shape_cast %get3A_477 : vector<16xf32> to vector<1x16xf32>
      tpu.vector_store %arg9[%swap3A_478, %swap3A_479], %swap3A_482 {add = true, strides = array<i32>} : memref<256x128xf32, #tpu.memory_space<vmem>>, vector<1x16xf32>,
      %mul3A_483 = arith.constant 2 : i32
      %mul3A_484 = arith.muli %scan3A_263, %mul3A_483 : i32
      %add3A_485 = arith.constant 1 : i32
      %add3A_486 = arith.addi %mul3A_484, %add3A_485 : i32
      %mul3A_487 = arith.constant 2 : i32
      %mul3A_488 = arith.muli %scan3A_263, %mul3A_487 : i32
      %add3A_489 = arith.constant 1 : i32
      %add3A_490 = arith.addi %mul3A_488, %add3A_489 : i32
      %get3A_491 = arith.index_cast %add3A_490 : i32 to index
      %get3A_492 = arith.constant 80 : index
      %get3A_493 = tpu.vector_load %arg10[%get3A_491, %get3A_492] {strides = array<i32>} : memref<256x128xf32, #tpu.memory_space<vmem>>, vector<1x16xf32>,
      %get3A_494 = vector.shape_cast %get3A_493 : vector<1x16xf32> to vector<16xf32>
      %swap3A_495 = arith.index_cast %add3A_486 : i32 to index
      %swap3A_496 = arith.constant 80 : index
      %swap3A_497 = tpu.vector_load %arg9[%swap3A_495, %swap3A_496] {strides = array<i32>} : memref<256x128xf32, #tpu.memory_space<vmem>>, vector<1x16xf32>,
      %swap3A_498 = vector.shape_cast %swap3A_497 : vector<1x16xf32> to vector<16xf32>
      %swap3A_499 = vector.shape_cast %get3A_494 : vector<16xf32> to vector<1x16xf32>
      tpu.vector_store %arg9[%swap3A_495, %swap3A_496], %swap3A_499 {add = true, strides = array<i32>} : memref<256x128xf32, #tpu.memory_space<vmem>>, vector<1x16xf32>,
      %mul3A_500 = arith.constant 2 : i32
      %mul3A_501 = arith.muli %scan3A_263, %mul3A_500 : i32
      %add3A_502 = arith.constant 1 : i32
      %add3A_503 = arith.addi %mul3A_501, %add3A_502 : i32
      %mul3A_504 = arith.constant 2 : i32
      %mul3A_505 = arith.muli %scan3A_263, %mul3A_504 : i32
      %add3A_506 = arith.constant 1 : i32
      %add3A_507 = arith.addi %mul3A_505, %add3A_506 : i32
      %get3A_508 = arith.index_cast %add3A_507 : i32 to index
      %get3A_509 = arith.constant 96 : index
      %get3A_510 = tpu.vector_load %arg10[%get3A_508, %get3A_509] {strides = array<i32>} : memref<256x128xf32, #tpu.memory_space<vmem>>, vector<1x16xf32>,
      %get3A_511 = vector.shape_cast %get3A_510 : vector<1x16xf32> to vector<16xf32>
      %swap3A_512 = arith.index_cast %add3A_503 : i32 to index
      %swap3A_513 = arith.constant 96 : index
      %swap3A_514 = tpu.vector_load %arg9[%swap3A_512, %swap3A_513] {strides = array<i32>} : memref<256x128xf32, #tpu.memory_space<vmem>>, vector<1x16xf32>,
      %swap3A_515 = vector.shape_cast %swap3A_514 : vector<1x16xf32> to vector<16xf32>
      %swap3A_516 = vector.shape_cast %get3A_511 : vector<16xf32> to vector<1x16xf32>
      tpu.vector_store %arg9[%swap3A_512, %swap3A_513], %swap3A_516 {add = true, strides = array<i32>} : memref<256x128xf32, #tpu.memory_space<vmem>>, vector<1x16xf32>,
      %mul3A_517 = arith.constant 2 : i32
      %mul3A_518 = arith.muli %scan3A_263, %mul3A_517 : i32
      %add3A_519 = arith.constant 1 : i32
      %add3A_520 = arith.addi %mul3A_518, %add3A_519 : i32
      %mul3A_521 = arith.constant 2 : i32
      %mul3A_522 = arith.muli %scan3A_263, %mul3A_521 : i32
      %add3A_523 = arith.constant 1 : i32
      %add3A_524 = arith.addi %mul3A_522, %add3A_523 : i32
      %get3A_525 = arith.index_cast %add3A_524 : i32 to index
      %get3A_526 = arith.constant 112 : index
      %get3A_527 = tpu.vector_load %arg10[%get3A_525, %get3A_526] {strides = array<i32>} : memref<256x128xf32, #tpu.memory_space<vmem>>, vector<1x16xf32>,
      %get3A_528 = vector.shape_cast %get3A_527 : vector<1x16xf32> to vector<16xf32>
      %swap3A_529 = arith.index_cast %add3A_520 : i32 to index
      %swap3A_530 = arith.constant 112 : index
      %swap3A_531 = tpu.vector_load %arg9[%swap3A_529, %swap3A_530] {strides = array<i32>} : memref<256x128xf32, #tpu.memory_space<vmem>>, vector<1x16xf32>,
      %swap3A_532 = vector.shape_cast %swap3A_531 : vector<1x16xf32> to vector<16xf32>
      %swap3A_533 = vector.shape_cast %get3A_528 : vector<16xf32> to vector<1x16xf32>
      tpu.vector_store %arg9[%swap3A_529, %swap3A_530], %swap3A_533 {add = true, strides = array<i32>} : memref<256x128xf32, #tpu.memory_space<vmem>>, vector<1x16xf32>,
    }
    %scan3A_192 = arith.constant 64 : i32
    %add3A_193 = arith.constant 0 : i32
    %add3A_194 = arith.addi %mul3A_2, %add3A_193 : i32
    %dma_start3A_195 = arith.constant 0 : i32
    %dma_start3A_196 = arith.constant 0 : i32
    %dma_start3A_197 = tpu.memref_slice %arg9[%dma_start3A_195, %dma_start3A_196] : memref<256x128xf32, #tpu.memory_space<vmem>> -> memref<128x128xf32, #tpu.memory_space<vmem>>
    %dma_start3A_198 = arith.constant 0 : i32
    %dma_start3A_199 = tpu.memref_slice %arg6[%add3A_194, %dma_start3A_198] : memref<8192x128xf32, #tpu.memory_space<hbm>> -> memref<128x128xf32, #tpu.memory_space<hbm>>
    %dma_start3A_200 = arith.constant 0 : i32
    %dma_start3A_201 = tpu.memref_slice %arg6[%add3A_194, %dma_start3A_200] : memref<8192x128xf32, #tpu.memory_space<hbm>> -> memref<128x128xf32, #tpu.memory_space<hbm>>
    %dma_start3A_202 = arith.constant 0 : i32
    %dma_start3A_203 = arith.constant 0 : i32
    %dma_start3A_204 = tpu.memref_slice %arg9[%dma_start3A_202, %dma_start3A_203] : memref<256x128xf32, #tpu.memory_space<vmem>> -> memref<128x128xf32, #tpu.memory_space<vmem>>
    tpu.enqueue_dma source(%dma_start3A_204 : memref<128x128xf32, #tpu.memory_space<vmem>>) target(%dma_start3A_201 : memref<128x128xf32, #tpu.memory_space<hbm>>) target_semaphore(%arg16 : memref<!tpu.dma_semaphore, #tpu.memory_space<semaphore_mem>>)
    %dma_wait3A_205 = arith.constant 1 : i32
    %dma_wait3A_206 = arith.constant 128 : i32
    %dma_wait3A_207 = arith.constant 0 : i32
    %dma_wait3A_208 = tpu.memref_slice %arg9[%dma_wait3A_206, %dma_wait3A_207] : memref<256x128xf32, #tpu.memory_space<vmem>> -> memref<128x128xf32, #tpu.memory_space<vmem>>
    %dma_wait3A_209 = arith.constant 0 : i32
    %dma_wait3A_210 = tpu.memref_slice %arg7[%dma_wait3A_205, %dma_wait3A_209] : memref<2x128xi32, #tpu.memory_space<vmem>> -> memref<1x128xi32, #tpu.memory_space<vmem>>
    %dma_wait3A_211 = tpu.memref_squeeze %dma_wait3A_210 : memref<1x128xi32, #tpu.memory_space<vmem>> -> memref<128xi32, #tpu.memory_space<vmem>>
    %dma_wait3A_212 = arith.constant 0 : i32
    %dma_wait3A_213 = arith.constant 0 : i32
    %dma_wait3A_214 = tpu.memref_slice %arg4[%dma_wait3A_212, %dma_wait3A_213] : memref<100000x128xf32, #tpu.memory_space<hbm>> -> memref<100000x128xf32, #tpu.memory_space<hbm>>
    tpu.wait_indirect_dma semaphore(%arg13 : memref<!tpu.dma_semaphore, #tpu.memory_space<semaphore_mem>>) src(%dma_wait3A_214 : memref<100000x128xf32, #tpu.memory_space<hbm>>) dst(%dma_wait3A_208 : memref<128x128xf32, #tpu.memory_space<vmem>>)
    %dma_wait3A_215 = arith.constant 1 : i32
    %dma_wait3A_216 = arith.constant 128 : i32
    %dma_wait3A_217 = arith.constant 0 : i32
    %dma_wait3A_218 = tpu.memref_slice %arg10[%dma_wait3A_216, %dma_wait3A_217] : memref<256x128xf32, #tpu.memory_space<vmem>> -> memref<128x128xf32, #tpu.memory_space<vmem>>
    %dma_wait3A_219 = arith.constant 0 : i32
    %dma_wait3A_220 = tpu.memref_slice %arg8[%dma_wait3A_215, %dma_wait3A_219] : memref<2x128xi32, #tpu.memory_space<vmem>> -> memref<1x128xi32, #tpu.memory_space<vmem>>
    %dma_wait3A_221 = tpu.memref_squeeze %dma_wait3A_220 : memref<1x128xi32, #tpu.memory_space<vmem>> -> memref<128xi32, #tpu.memory_space<vmem>>
    %dma_wait3A_222 = arith.constant 0 : i32
    %dma_wait3A_223 = arith.constant 0 : i32
    %dma_wait3A_224 = tpu.memref_slice %arg11[%dma_wait3A_222, %dma_wait3A_223] : memref<2048x128xf32, #tpu.memory_space<vmem_shared>> -> memref<2048x128xf32, #tpu.memory_space<vmem_shared>>
    tpu.wait_indirect_dma semaphore(%arg15 : memref<!tpu.dma_semaphore, #tpu.memory_space<semaphore_mem>>) src(%dma_wait3A_224 : memref<2048x128xf32, #tpu.memory_space<vmem_shared>>) dst(%dma_wait3A_218 : memref<128x128xf32, #tpu.memory_space<vmem>>)
    %scan3A_225 = arith.constant 0 : i32
    %scan3A_226 = arith.constant 64 : i32
    %scan3A_227 = arith.constant 64 : i32
    %scan3A_228 = arith.addi %scan3A_226, %scan3A_227 : i32
    %scan3A_229 = arith.constant 1 : i32
    scf.for %scan3A_263 = %scan3A_226 to %scan3A_228 step %scan3A_229  : i32 {
      %mul3A_264 = arith.constant 2 : i32
      %mul3A_265 = arith.muli %scan3A_263, %mul3A_264 : i32
      %add3A_266 = arith.constant 0 : i32
      %add3A_267 = arith.addi %mul3A_265, %add3A_266 : i32
      %mul3A_268 = arith.constant 2 : i32
      %mul3A_269 = arith.muli %scan3A_263, %mul3A_268 : i32
      %add3A_270 = arith.constant 0 : i32
      %add3A_271 = arith.addi %mul3A_269, %add3A_270 : i32
      %get3A = arith.index_cast %add3A_271 : i32 to index
      %get3A_272 = arith.constant 0 : index
      %get3A_273 = tpu.vector_load %arg10[%get3A, %get3A_272] {strides = array<i32>} : memref<256x128xf32, #tpu.memory_space<vmem>>, vector<1x16xf32>,
      %get3A_274 = vector.shape_cast %get3A_273 : vector<1x16xf32> to vector<16xf32>
      %swap3A = arith.index_cast %add3A_267 : i32 to index
      %swap3A_275 = arith.constant 0 : index
      %swap3A_276 = tpu.vector_load %arg9[%swap3A, %swap3A_275] {strides = array<i32>} : memref<256x128xf32, #tpu.memory_space<vmem>>, vector<1x16xf32>,
      %swap3A_277 = vector.shape_cast %swap3A_276 : vector<1x16xf32> to vector<16xf32>
      %swap3A_278 = vector.shape_cast %get3A_274 : vector<16xf32> to vector<1x16xf32>
      tpu.vector_store %arg9[%swap3A, %swap3A_275], %swap3A_278 {add = true, strides = array<i32>} : memref<256x128xf32, #tpu.memory_space<vmem>>, vector<1x16xf32>,
      %mul3A_279 = arith.constant 2 : i32
      %mul3A_280 = arith.muli %scan3A_263, %mul3A_279 : i32
      %add3A_281 = arith.constant 0 : i32
      %add3A_282 = arith.addi %mul3A_280, %add3A_281 : i32
      %mul3A_283 = arith.constant 2 : i32
      %mul3A_284 = arith.muli %scan3A_263, %mul3A_283 : i32
      %add3A_285 = arith.constant 0 : i32
      %add3A_286 = arith.addi %mul3A_284, %add3A_285 : i32
      %get3A_287 = arith.index_cast %add3A_286 : i32 to index
      %get3A_288 = arith.constant 16 : index
      %get3A_289 = tpu.vector_load %arg10[%get3A_287, %get3A_288] {strides = array<i32>} : memref<256x128xf32, #tpu.memory_space<vmem>>, vector<1x16xf32>,
      %get3A_290 = vector.shape_cast %get3A_289 : vector<1x16xf32> to vector<16xf32>
      %swap3A_291 = arith.index_cast %add3A_282 : i32 to index
      %swap3A_292 = arith.constant 16 : index
      %swap3A_293 = tpu.vector_load %arg9[%swap3A_291, %swap3A_292] {strides = array<i32>} : memref<256x128xf32, #tpu.memory_space<vmem>>, vector<1x16xf32>,
      %swap3A_294 = vector.shape_cast %swap3A_293 : vector<1x16xf32> to vector<16xf32>
      %swap3A_295 = vector.shape_cast %get3A_290 : vector<16xf32> to vector<1x16xf32>
      tpu.vector_store %arg9[%swap3A_291, %swap3A_292], %swap3A_295 {add = true, strides = array<i32>} : memref<256x128xf32, #tpu.memory_space<vmem>>, vector<1x16xf32>,
      %mul3A_296 = arith.constant 2 : i32
      %mul3A_297 = arith.muli %scan3A_263, %mul3A_296 : i32
      %add3A_298 = arith.constant 0 : i32
      %add3A_299 = arith.addi %mul3A_297, %add3A_298 : i32
      %mul3A_300 = arith.constant 2 : i32
      %mul3A_301 = arith.muli %scan3A_263, %mul3A_300 : i32
      %add3A_302 = arith.constant 0 : i32
      %add3A_303 = arith.addi %mul3A_301, %add3A_302 : i32
      %get3A_304 = arith.index_cast %add3A_303 : i32 to index
      %get3A_305 = arith.constant 32 : index
      %get3A_306 = tpu.vector_load %arg10[%get3A_304, %get3A_305] {strides = array<i32>} : memref<256x128xf32, #tpu.memory_space<vmem>>, vector<1x16xf32>,
      %get3A_307 = vector.shape_cast %get3A_306 : vector<1x16xf32> to vector<16xf32>
      %swap3A_308 = arith.index_cast %add3A_299 : i32 to index
      %swap3A_309 = arith.constant 32 : index
      %swap3A_310 = tpu.vector_load %arg9[%swap3A_308, %swap3A_309] {strides = array<i32>} : memref<256x128xf32, #tpu.memory_space<vmem>>, vector<1x16xf32>,
      %swap3A_311 = vector.shape_cast %swap3A_310 : vector<1x16xf32> to vector<16xf32>
      %swap3A_312 = vector.shape_cast %get3A_307 : vector<16xf32> to vector<1x16xf32>
      tpu.vector_store %arg9[%swap3A_308, %swap3A_309], %swap3A_312 {add = true, strides = array<i32>} : memref<256x128xf32, #tpu.memory_space<vmem>>, vector<1x16xf32>,
      %mul3A_313 = arith.constant 2 : i32
      %mul3A_314 = arith.muli %scan3A_263, %mul3A_313 : i32
      %add3A_315 = arith.constant 0 : i32
      %add3A_316 = arith.addi %mul3A_314, %add3A_315 : i32
      %mul3A_317 = arith.constant 2 : i32
      %mul3A_318 = arith.muli %scan3A_263, %mul3A_317 : i32
      %add3A_319 = arith.constant 0 : i32
      %add3A_320 = arith.addi %mul3A_318, %add3A_319 : i32
      %get3A_321 = arith.index_cast %add3A_320 : i32 to index
      %get3A_322 = arith.constant 48 : index
      %get3A_323 = tpu.vector_load %arg10[%get3A_321, %get3A_322] {strides = array<i32>} : memref<256x128xf32, #tpu.memory_space<vmem>>, vector<1x16xf32>,
      %get3A_324 = vector.shape_cast %get3A_323 : vector<1x16xf32> to vector<16xf32>
      %swap3A_325 = arith.index_cast %add3A_316 : i32 to index
      %swap3A_326 = arith.constant 48 : index
      %swap3A_327 = tpu.vector_load %arg9[%swap3A_325, %swap3A_326] {strides = array<i32>} : memref<256x128xf32, #tpu.memory_space<vmem>>, vector<1x16xf32>,
      %swap3A_328 = vector.shape_cast %swap3A_327 : vector<1x16xf32> to vector<16xf32>
      %swap3A_329 = vector.shape_cast %get3A_324 : vector<16xf32> to vector<1x16xf32>
      tpu.vector_store %arg9[%swap3A_325, %swap3A_326], %swap3A_329 {add = true, strides = array<i32>} : memref<256x128xf32, #tpu.memory_space<vmem>>, vector<1x16xf32>,
      %mul3A_330 = arith.constant 2 : i32
      %mul3A_331 = arith.muli %scan3A_263, %mul3A_330 : i32
      %add3A_332 = arith.constant 0 : i32
      %add3A_333 = arith.addi %mul3A_331, %add3A_332 : i32
      %mul3A_334 = arith.constant 2 : i32
      %mul3A_335 = arith.muli %scan3A_263, %mul3A_334 : i32
      %add3A_336 = arith.constant 0 : i32
      %add3A_337 = arith.addi %mul3A_335, %add3A_336 : i32
      %get3A_338 = arith.index_cast %add3A_337 : i32 to index
      %get3A_339 = arith.constant 64 : index
      %get3A_340 = tpu.vector_load %arg10[%get3A_338, %get3A_339] {strides = array<i32>} : memref<256x128xf32, #tpu.memory_space<vmem>>, vector<1x16xf32>,
      %get3A_341 = vector.shape_cast %get3A_340 : vector<1x16xf32> to vector<16xf32>
      %swap3A_342 = arith.index_cast %add3A_333 : i32 to index
      %swap3A_343 = arith.constant 64 : index
      %swap3A_344 = tpu.vector_load %arg9[%swap3A_342, %swap3A_343] {strides = array<i32>} : memref<256x128xf32, #tpu.memory_space<vmem>>, vector<1x16xf32>,
      %swap3A_345 = vector.shape_cast %swap3A_344 : vector<1x16xf32> to vector<16xf32>
      %swap3A_346 = vector.shape_cast %get3A_341 : vector<16xf32> to vector<1x16xf32>
      tpu.vector_store %arg9[%swap3A_342, %swap3A_343], %swap3A_346 {add = true, strides = array<i32>} : memref<256x128xf32, #tpu.memory_space<vmem>>, vector<1x16xf32>,
      %mul3A_347 = arith.constant 2 : i32
      %mul3A_348 = arith.muli %scan3A_263, %mul3A_347 : i32
      %add3A_349 = arith.constant 0 : i32
      %add3A_350 = arith.addi %mul3A_348, %add3A_349 : i32
      %mul3A_351 = arith.constant 2 : i32
      %mul3A_352 = arith.muli %scan3A_263, %mul3A_351 : i32
      %add3A_353 = arith.constant 0 : i32
      %add3A_354 = arith.addi %mul3A_352, %add3A_353 : i32
      %get3A_355 = arith.index_cast %add3A_354 : i32 to index
      %get3A_356 = arith.constant 80 : index
      %get3A_357 = tpu.vector_load %arg10[%get3A_355, %get3A_356] {strides = array<i32>} : memref<256x128xf32, #tpu.memory_space<vmem>>, vector<1x16xf32>,
      %get3A_358 = vector.shape_cast %get3A_357 : vector<1x16xf32> to vector<16xf32>
      %swap3A_359 = arith.index_cast %add3A_350 : i32 to index
      %swap3A_360 = arith.constant 80 : index
      %swap3A_361 = tpu.vector_load %arg9[%swap3A_359, %swap3A_360] {strides = array<i32>} : memref<256x128xf32, #tpu.memory_space<vmem>>, vector<1x16xf32>,
      %swap3A_362 = vector.shape_cast %swap3A_361 : vector<1x16xf32> to vector<16xf32>
      %swap3A_363 = vector.shape_cast %get3A_358 : vector<16xf32> to vector<1x16xf32>
      tpu.vector_store %arg9[%swap3A_359, %swap3A_360], %swap3A_363 {add = true, strides = array<i32>} : memref<256x128xf32, #tpu.memory_space<vmem>>, vector<1x16xf32>,
      %mul3A_364 = arith.constant 2 : i32
      %mul3A_365 = arith.muli %scan3A_263, %mul3A_364 : i32
      %add3A_366 = arith.constant 0 : i32
      %add3A_367 = arith.addi %mul3A_365, %add3A_366 : i32
      %mul3A_368 = arith.constant 2 : i32
      %mul3A_369 = arith.muli %scan3A_263, %mul3A_368 : i32
      %add3A_370 = arith.constant 0 : i32
      %add3A_371 = arith.addi %mul3A_369, %add3A_370 : i32
      %get3A_372 = arith.index_cast %add3A_371 : i32 to index
      %get3A_373 = arith.constant 96 : index
      %get3A_374 = tpu.vector_load %arg10[%get3A_372, %get3A_373] {strides = array<i32>} : memref<256x128xf32, #tpu.memory_space<vmem>>, vector<1x16xf32>,
      %get3A_375 = vector.shape_cast %get3A_374 : vector<1x16xf32> to vector<16xf32>
      %swap3A_376 = arith.index_cast %add3A_367 : i32 to index
      %swap3A_377 = arith.constant 96 : index
      %swap3A_378 = tpu.vector_load %arg9[%swap3A_376, %swap3A_377] {strides = array<i32>} : memref<256x128xf32, #tpu.memory_space<vmem>>, vector<1x16xf32>,
      %swap3A_379 = vector.shape_cast %swap3A_378 : vector<1x16xf32> to vector<16xf32>
      %swap3A_380 = vector.shape_cast %get3A_375 : vector<16xf32> to vector<1x16xf32>
      tpu.vector_store %arg9[%swap3A_376, %swap3A_377], %swap3A_380 {add = true, strides = array<i32>} : memref<256x128xf32, #tpu.memory_space<vmem>>, vector<1x16xf32>,
      %mul3A_381 = arith.constant 2 : i32
      %mul3A_382 = arith.muli %scan3A_263, %mul3A_381 : i32
      %add3A_383 = arith.constant 0 : i32
      %add3A_384 = arith.addi %mul3A_382, %add3A_383 : i32
      %mul3A_385 = arith.constant 2 : i32
      %mul3A_386 = arith.muli %scan3A_263, %mul3A_385 : i32
      %add3A_387 = arith.constant 0 : i32
      %add3A_388 = arith.addi %mul3A_386, %add3A_387 : i32
      %get3A_389 = arith.index_cast %add3A_388 : i32 to index
      %get3A_390 = arith.constant 112 : index
      %get3A_391 = tpu.vector_load %arg10[%get3A_389, %get3A_390] {strides = array<i32>} : memref<256x128xf32, #tpu.memory_space<vmem>>, vector<1x16xf32>,
      %get3A_392 = vector.shape_cast %get3A_391 : vector<1x16xf32> to vector<16xf32>
      %swap3A_393 = arith.index_cast %add3A_384 : i32 to index
      %swap3A_394 = arith.constant 112 : index
      %swap3A_395 = tpu.vector_load %arg9[%swap3A_393, %swap3A_394] {strides = array<i32>} : memref<256x128xf32, #tpu.memory_space<vmem>>, vector<1x16xf32>,
      %swap3A_396 = vector.shape_cast %swap3A_395 : vector<1x16xf32> to vector<16xf32>
      %swap3A_397 = vector.shape_cast %get3A_392 : vector<16xf32> to vector<1x16xf32>
      tpu.vector_store %arg9[%swap3A_393, %swap3A_394], %swap3A_397 {add = true, strides = array<i32>} : memref<256x128xf32, #tpu.memory_space<vmem>>, vector<1x16xf32>,
      %mul3A_398 = arith.constant 2 : i32
      %mul3A_399 = arith.muli %scan3A_263, %mul3A_398 : i32
      %add3A_400 = arith.constant 1 : i32
      %add3A_401 = arith.addi %mul3A_399, %add3A_400 : i32
      %mul3A_402 = arith.constant 2 : i32
      %mul3A_403 = arith.muli %scan3A_263, %mul3A_402 : i32
      %add3A_404 = arith.constant 1 : i32
      %add3A_405 = arith.addi %mul3A_403, %add3A_404 : i32
      %get3A_406 = arith.index_cast %add3A_405 : i32 to index
      %get3A_407 = arith.constant 0 : index
      %get3A_408 = tpu.vector_load %arg10[%get3A_406, %get3A_407] {strides = array<i32>} : memref<256x128xf32, #tpu.memory_space<vmem>>, vector<1x16xf32>,
      %get3A_409 = vector.shape_cast %get3A_408 : vector<1x16xf32> to vector<16xf32>
      %swap3A_410 = arith.index_cast %add3A_401 : i32 to index
      %swap3A_411 = arith.constant 0 : index
      %swap3A_412 = tpu.vector_load %arg9[%swap3A_410, %swap3A_411] {strides = array<i32>} : memref<256x128xf32, #tpu.memory_space<vmem>>, vector<1x16xf32>,
      %swap3A_413 = vector.shape_cast %swap3A_412 : vector<1x16xf32> to vector<16xf32>
      %swap3A_414 = vector.shape_cast %get3A_409 : vector<16xf32> to vector<1x16xf32>
      tpu.vector_store %arg9[%swap3A_410, %swap3A_411], %swap3A_414 {add = true, strides = array<i32>} : memref<256x128xf32, #tpu.memory_space<vmem>>, vector<1x16xf32>,
      %mul3A_415 = arith.constant 2 : i32
      %mul3A_416 = arith.muli %scan3A_263, %mul3A_415 : i32
      %add3A_417 = arith.constant 1 : i32
      %add3A_418 = arith.addi %mul3A_416, %add3A_417 : i32
      %mul3A_419 = arith.constant 2 : i32
      %mul3A_420 = arith.muli %scan3A_263, %mul3A_419 : i32
      %add3A_421 = arith.constant 1 : i32
      %add3A_422 = arith.addi %mul3A_420, %add3A_421 : i32
      %get3A_423 = arith.index_cast %add3A_422 : i32 to index
      %get3A_424 = arith.constant 16 : index
      %get3A_425 = tpu.vector_load %arg10[%get3A_423, %get3A_424] {strides = array<i32>} : memref<256x128xf32, #tpu.memory_space<vmem>>, vector<1x16xf32>,
      %get3A_426 = vector.shape_cast %get3A_425 : vector<1x16xf32> to vector<16xf32>
      %swap3A_427 = arith.index_cast %add3A_418 : i32 to index
      %swap3A_428 = arith.constant 16 : index
      %swap3A_429 = tpu.vector_load %arg9[%swap3A_427, %swap3A_428] {strides = array<i32>} : memref<256x128xf32, #tpu.memory_space<vmem>>, vector<1x16xf32>,
      %swap3A_430 = vector.shape_cast %swap3A_429 : vector<1x16xf32> to vector<16xf32>
      %swap3A_431 = vector.shape_cast %get3A_426 : vector<16xf32> to vector<1x16xf32>
      tpu.vector_store %arg9[%swap3A_427, %swap3A_428], %swap3A_431 {add = true, strides = array<i32>} : memref<256x128xf32, #tpu.memory_space<vmem>>, vector<1x16xf32>,
      %mul3A_432 = arith.constant 2 : i32
      %mul3A_433 = arith.muli %scan3A_263, %mul3A_432 : i32
      %add3A_434 = arith.constant 1 : i32
      %add3A_435 = arith.addi %mul3A_433, %add3A_434 : i32
      %mul3A_436 = arith.constant 2 : i32
      %mul3A_437 = arith.muli %scan3A_263, %mul3A_436 : i32
      %add3A_438 = arith.constant 1 : i32
      %add3A_439 = arith.addi %mul3A_437, %add3A_438 : i32
      %get3A_440 = arith.index_cast %add3A_439 : i32 to index
      %get3A_441 = arith.constant 32 : index
      %get3A_442 = tpu.vector_load %arg10[%get3A_440, %get3A_441] {strides = array<i32>} : memref<256x128xf32, #tpu.memory_space<vmem>>, vector<1x16xf32>,
      %get3A_443 = vector.shape_cast %get3A_442 : vector<1x16xf32> to vector<16xf32>
      %swap3A_444 = arith.index_cast %add3A_435 : i32 to index
      %swap3A_445 = arith.constant 32 : index
      %swap3A_446 = tpu.vector_load %arg9[%swap3A_444, %swap3A_445] {strides = array<i32>} : memref<256x128xf32, #tpu.memory_space<vmem>>, vector<1x16xf32>,
      %swap3A_447 = vector.shape_cast %swap3A_446 : vector<1x16xf32> to vector<16xf32>
      %swap3A_448 = vector.shape_cast %get3A_443 : vector<16xf32> to vector<1x16xf32>
      tpu.vector_store %arg9[%swap3A_444, %swap3A_445], %swap3A_448 {add = true, strides = array<i32>} : memref<256x128xf32, #tpu.memory_space<vmem>>, vector<1x16xf32>,
      %mul3A_449 = arith.constant 2 : i32
      %mul3A_450 = arith.muli %scan3A_263, %mul3A_449 : i32
      %add3A_451 = arith.constant 1 : i32
      %add3A_452 = arith.addi %mul3A_450, %add3A_451 : i32
      %mul3A_453 = arith.constant 2 : i32
      %mul3A_454 = arith.muli %scan3A_263, %mul3A_453 : i32
      %add3A_455 = arith.constant 1 : i32
      %add3A_456 = arith.addi %mul3A_454, %add3A_455 : i32
      %get3A_457 = arith.index_cast %add3A_456 : i32 to index
      %get3A_458 = arith.constant 48 : index
      %get3A_459 = tpu.vector_load %arg10[%get3A_457, %get3A_458] {strides = array<i32>} : memref<256x128xf32, #tpu.memory_space<vmem>>, vector<1x16xf32>,
      %get3A_460 = vector.shape_cast %get3A_459 : vector<1x16xf32> to vector<16xf32>
      %swap3A_461 = arith.index_cast %add3A_452 : i32 to index
      %swap3A_462 = arith.constant 48 : index
      %swap3A_463 = tpu.vector_load %arg9[%swap3A_461, %swap3A_462] {strides = array<i32>} : memref<256x128xf32, #tpu.memory_space<vmem>>, vector<1x16xf32>,
      %swap3A_464 = vector.shape_cast %swap3A_463 : vector<1x16xf32> to vector<16xf32>
      %swap3A_465 = vector.shape_cast %get3A_460 : vector<16xf32> to vector<1x16xf32>
      tpu.vector_store %arg9[%swap3A_461, %swap3A_462], %swap3A_465 {add = true, strides = array<i32>} : memref<256x128xf32, #tpu.memory_space<vmem>>, vector<1x16xf32>,
      %mul3A_466 = arith.constant 2 : i32
      %mul3A_467 = arith.muli %scan3A_263, %mul3A_466 : i32
      %add3A_468 = arith.constant 1 : i32
      %add3A_469 = arith.addi %mul3A_467, %add3A_468 : i32
      %mul3A_470 = arith.constant 2 : i32
      %mul3A_471 = arith.muli %scan3A_263, %mul3A_470 : i32
      %add3A_472 = arith.constant 1 : i32
      %add3A_473 = arith.addi %mul3A_471, %add3A_472 : i32
      %get3A_474 = arith.index_cast %add3A_473 : i32 to index
      %get3A_475 = arith.constant 64 : index
      %get3A_476 = tpu.vector_load %arg10[%get3A_474, %get3A_475] {strides = array<i32>} : memref<256x128xf32, #tpu.memory_space<vmem>>, vector<1x16xf32>,
      %get3A_477 = vector.shape_cast %get3A_476 : vector<1x16xf32> to vector<16xf32>
      %swap3A_478 = arith.index_cast %add3A_469 : i32 to index
      %swap3A_479 = arith.constant 64 : index
      %swap3A_480 = tpu.vector_load %arg9[%swap3A_478, %swap3A_479] {strides = array<i32>} : memref<256x128xf32, #tpu.memory_space<vmem>>, vector<1x16xf32>,
      %swap3A_481 = vector.shape_cast %swap3A_480 : vector<1x16xf32> to vector<16xf32>
      %swap3A_482 = vector.shape_cast %get3A_477 : vector<16xf32> to vector<1x16xf32>
      tpu.vector_store %arg9[%swap3A_478, %swap3A_479], %swap3A_482 {add = true, strides = array<i32>} : memref<256x128xf32, #tpu.memory_space<vmem>>, vector<1x16xf32>,
      %mul3A_483 = arith.constant 2 : i32
      %mul3A_484 = arith.muli %scan3A_263, %mul3A_483 : i32
      %add3A_485 = arith.constant 1 : i32
      %add3A_486 = arith.addi %mul3A_484, %add3A_485 : i32
      %mul3A_487 = arith.constant 2 : i32
      %mul3A_488 = arith.muli %scan3A_263, %mul3A_487 : i32
      %add3A_489 = arith.constant 1 : i32
      %add3A_490 = arith.addi %mul3A_488, %add3A_489 : i32
      %get3A_491 = arith.index_cast %add3A_490 : i32 to index
      %get3A_492 = arith.constant 80 : index
      %get3A_493 = tpu.vector_load %arg10[%get3A_491, %get3A_492] {strides = array<i32>} : memref<256x128xf32, #tpu.memory_space<vmem>>, vector<1x16xf32>,
      %get3A_494 = vector.shape_cast %get3A_493 : vector<1x16xf32> to vector<16xf32>
      %swap3A_495 = arith.index_cast %add3A_486 : i32 to index
      %swap3A_496 = arith.constant 80 : index
      %swap3A_497 = tpu.vector_load %arg9[%swap3A_495, %swap3A_496] {strides = array<i32>} : memref<256x128xf32, #tpu.memory_space<vmem>>, vector<1x16xf32>,
      %swap3A_498 = vector.shape_cast %swap3A_497 : vector<1x16xf32> to vector<16xf32>
      %swap3A_499 = vector.shape_cast %get3A_494 : vector<16xf32> to vector<1x16xf32>
      tpu.vector_store %arg9[%swap3A_495, %swap3A_496], %swap3A_499 {add = true, strides = array<i32>} : memref<256x128xf32, #tpu.memory_space<vmem>>, vector<1x16xf32>,
      %mul3A_500 = arith.constant 2 : i32
      %mul3A_501 = arith.muli %scan3A_263, %mul3A_500 : i32
      %add3A_502 = arith.constant 1 : i32
      %add3A_503 = arith.addi %mul3A_501, %add3A_502 : i32
      %mul3A_504 = arith.constant 2 : i32
      %mul3A_505 = arith.muli %scan3A_263, %mul3A_504 : i32
      %add3A_506 = arith.constant 1 : i32
      %add3A_507 = arith.addi %mul3A_505, %add3A_506 : i32
      %get3A_508 = arith.index_cast %add3A_507 : i32 to index
      %get3A_509 = arith.constant 96 : index
      %get3A_510 = tpu.vector_load %arg10[%get3A_508, %get3A_509] {strides = array<i32>} : memref<256x128xf32, #tpu.memory_space<vmem>>, vector<1x16xf32>,
      %get3A_511 = vector.shape_cast %get3A_510 : vector<1x16xf32> to vector<16xf32>
      %swap3A_512 = arith.index_cast %add3A_503 : i32 to index
      %swap3A_513 = arith.constant 96 : index
      %swap3A_514 = tpu.vector_load %arg9[%swap3A_512, %swap3A_513] {strides = array<i32>} : memref<256x128xf32, #tpu.memory_space<vmem>>, vector<1x16xf32>,
      %swap3A_515 = vector.shape_cast %swap3A_514 : vector<1x16xf32> to vector<16xf32>
      %swap3A_516 = vector.shape_cast %get3A_511 : vector<16xf32> to vector<1x16xf32>
      tpu.vector_store %arg9[%swap3A_512, %swap3A_513], %swap3A_516 {add = true, strides = array<i32>} : memref<256x128xf32, #tpu.memory_space<vmem>>, vector<1x16xf32>,
      %mul3A_517 = arith.constant 2 : i32
      %mul3A_518 = arith.muli %scan3A_263, %mul3A_517 : i32
      %add3A_519 = arith.constant 1 : i32
      %add3A_520 = arith.addi %mul3A_518, %add3A_519 : i32
      %mul3A_521 = arith.constant 2 : i32
      %mul3A_522 = arith.muli %scan3A_263, %mul3A_521 : i32
      %add3A_523 = arith.constant 1 : i32
      %add3A_524 = arith.addi %mul3A_522, %add3A_523 : i32
      %get3A_525 = arith.index_cast %add3A_524 : i32 to index
      %get3A_526 = arith.constant 112 : index
      %get3A_527 = tpu.vector_load %arg10[%get3A_525, %get3A_526] {strides = array<i32>} : memref<256x128xf32, #tpu.memory_space<vmem>>, vector<1x16xf32>,
      %get3A_528 = vector.shape_cast %get3A_527 : vector<1x16xf32> to vector<16xf32>
      %swap3A_529 = arith.index_cast %add3A_520 : i32 to index
      %swap3A_530 = arith.constant 112 : index
      %swap3A_531 = tpu.vector_load %arg9[%swap3A_529, %swap3A_530] {strides = array<i32>} : memref<256x128xf32, #tpu.memory_space<vmem>>, vector<1x16xf32>,
      %swap3A_532 = vector.shape_cast %swap3A_531 : vector<1x16xf32> to vector<16xf32>
      %swap3A_533 = vector.shape_cast %get3A_528 : vector<16xf32> to vector<1x16xf32>
      tpu.vector_store %arg9[%swap3A_529, %swap3A_530], %swap3A_533 {add = true, strides = array<i32>} : memref<256x128xf32, #tpu.memory_space<vmem>>, vector<1x16xf32>,
    }
    %scan3A_230 = arith.constant 64 : i32
    %add3A_231 = arith.constant 128 : i32
    %add3A_232 = arith.addi %mul3A_2, %add3A_231 : i32
    %dma_start3A_233 = arith.constant 128 : i32
    %dma_start3A_234 = arith.constant 0 : i32
    %dma_start3A_235 = tpu.memref_slice %arg9[%dma_start3A_233, %dma_start3A_234] : memref<256x128xf32, #tpu.memory_space<vmem>> -> memref<128x128xf32, #tpu.memory_space<vmem>>
    %dma_start3A_236 = arith.constant 0 : i32
    %dma_start3A_237 = tpu.memref_slice %arg6[%add3A_232, %dma_start3A_236] : memref<8192x128xf32, #tpu.memory_space<hbm>> -> memref<128x128xf32, #tpu.memory_space<hbm>>
    %dma_start3A_238 = arith.constant 0 : i32
    %dma_start3A_239 = tpu.memref_slice %arg6[%add3A_232, %dma_start3A_238] : memref<8192x128xf32, #tpu.memory_space<hbm>> -> memref<128x128xf32, #tpu.memory_space<hbm>>
    %dma_start3A_240 = arith.constant 128 : i32
    %dma_start3A_241 = arith.constant 0 : i32
    %dma_start3A_242 = tpu.memref_slice %arg9[%dma_start3A_240, %dma_start3A_241] : memref<256x128xf32, #tpu.memory_space<vmem>> -> memref<128x128xf32, #tpu.memory_space<vmem>>
    tpu.enqueue_dma source(%dma_start3A_242 : memref<128x128xf32, #tpu.memory_space<vmem>>) target(%dma_start3A_239 : memref<128x128xf32, #tpu.memory_space<hbm>>) target_semaphore(%arg16 : memref<!tpu.dma_semaphore, #tpu.memory_space<semaphore_mem>>)
    %dma_wait3A_243 = arith.constant 0 : i32
    %dma_wait3A_244 = arith.constant 0 : i32
    %dma_wait3A_245 = tpu.memref_slice %arg9[%dma_wait3A_243, %dma_wait3A_244] : memref<256x128xf32, #tpu.memory_space<vmem>> -> memref<128x128xf32, #tpu.memory_space<vmem>>
    %dma_wait3A_246 = arith.constant 0 : i32
    %dma_wait3A_247 = tpu.memref_slice %arg6[%add3A_194, %dma_wait3A_246] : memref<8192x128xf32, #tpu.memory_space<hbm>> -> memref<128x128xf32, #tpu.memory_space<hbm>>
    %dma_wait3A_248 = arith.constant 0 : i32
    %dma_wait3A_249 = tpu.memref_slice %arg6[%add3A_194, %dma_wait3A_248] : memref<8192x128xf32, #tpu.memory_space<hbm>> -> memref<128x128xf32, #tpu.memory_space<hbm>>
    %dma_wait3A_250 = arith.constant 0 : i32
    %dma_wait3A_251 = arith.constant 0 : i32
    %dma_wait3A_252 = tpu.memref_slice %arg9[%dma_wait3A_250, %dma_wait3A_251] : memref<256x128xf32, #tpu.memory_space<vmem>> -> memref<128x128xf32, #tpu.memory_space<vmem>>
    tpu.wait_dma2 semaphore(%arg16 : memref<!tpu.dma_semaphore, #tpu.memory_space<semaphore_mem>>) src(%dma_wait3A_252 : memref<128x128xf32, #tpu.memory_space<vmem>>) dst(%dma_wait3A_249 : memref<128x128xf32, #tpu.memory_space<hbm>>)
    %dma_wait3A_253 = arith.constant 128 : i32
    %dma_wait3A_254 = arith.constant 0 : i32
    %dma_wait3A_255 = tpu.memref_slice %arg9[%dma_wait3A_253, %dma_wait3A_254] : memref<256x128xf32, #tpu.memory_space<vmem>> -> memref<128x128xf32, #tpu.memory_space<vmem>>
    %dma_wait3A_256 = arith.constant 0 : i32
    %dma_wait3A_257 = tpu.memref_slice %arg6[%add3A_232, %dma_wait3A_256] : memref<8192x128xf32, #tpu.memory_space<hbm>> -> memref<128x128xf32, #tpu.memory_space<hbm>>
    %dma_wait3A_258 = arith.constant 0 : i32
    %dma_wait3A_259 = tpu.memref_slice %arg6[%add3A_232, %dma_wait3A_258] : memref<8192x128xf32, #tpu.memory_space<hbm>> -> memref<128x128xf32, #tpu.memory_space<hbm>>
    %dma_wait3A_260 = arith.constant 128 : i32
    %dma_wait3A_261 = arith.constant 0 : i32
    %dma_wait3A_262 = tpu.memref_slice %arg9[%dma_wait3A_260, %dma_wait3A_261] : memref<256x128xf32, #tpu.memory_space<vmem>> -> memref<128x128xf32, #tpu.memory_space<vmem>>
    tpu.wait_dma2 semaphore(%arg16 : memref<!tpu.dma_semaphore, #tpu.memory_space<semaphore_mem>>) src(%dma_wait3A_262 : memref<128x128xf32, #tpu.memory_space<vmem>>) dst(%dma_wait3A_259 : memref<128x128xf32, #tpu.memory_space<hbm>>)
    return
  }
}

</mosaic_0001>

<sc_bundles>
// kernel: kernel.3.cloned.1.call-start
scs
__scs_entry_jumppad:
0x0: {  	(pc) =	sbr.rel $0x88, $3  }
0x1: {  	(tag) =	ssettag $0x0;
	lr =	simm.s32 $0x1  }
0x2: {  	[smem:$0x3F9D] =	sst lr;
	_ =	strace $0xD0000000  }
0x3: {  	_ = 	snop  }
0x4: {  	_ = 	snop  }
0x5: {  	_ = 	snop  }
0x6: {  	_ = 	snop  }
0x7: {  	_ = 	snop  }
__scs_overlays_trampoline_lowered:
0x8: {  	[smem:$0x3FAC] =	sst s0  }
0x9: {  	[smem:$0x3FAD] =	sst s1  }
0xa: {  	[smem:$0x3FAE] =	sst s2  }
0xb: {  	[smem:$0x3FAF] =	sst s3  }
0xc: {  	[smem:$0x3FB0] =	sst s4  }
0xd: {  	[smem:$0x3FB1] =	sst s5  }
0xe: {  	[smem:$0x3FB2] =	sst s6  }
0xf: {  	[smem:$0x3FB3] =	sst s7  }
0x10: {  	[smem:$0x3FB4] =	sst s8  }
0x11: {  	[smem:$0x3FB5] =	sst s9;
	s0 =	simm.s32 @!p0 $0x0  }
0x12: {  	s1 =	sld [smem:$0x3F9B];
	s0 =	simm.s32 @p0 $0x1  }
0x13: {  	[smem:$0x3FB6] =	sst s0;
	s0 =	simm.s32 @!p1 $0x0  }
0x14: {  	s2 =	sld [smem:$0x3F9A];
	s0 =	simm.s32 @p1 $0x1  }
0x15: {  	[smem:$0x3FB7] =	sst s0;
	s0 =	simm.s32 @!p2 $0x0  }
0x16: {  	s3 =	sld [smem:$0x3FDB];
	s0 =	simm.s32 @p2 $0x1  }
0x17: {  	s4 =	simm.s32 $0x1BF5;
	[smem:$0x3FB9] =	sst s0  }
0x18: {  	s0 =	sld [smem:$0x3F9C];
	_ =	swait.ge [sflag:s4], $0x0  }
0x19: {  	s7 =	sld [smem:$0x3F9D]  }
0x1a: {  	s8 =	sadd.s32 $0xFFFFE003, lr  }
0x1b: {  	s9 =	sadd.s32 $0xFFFFFEF7, lr;
	s5 =	simm.s32 $0xFFFFFFFF;
	p2 =	slt.u32 s8, $0xFFFFF086  }
0x1c: {  	p1 =	slt.u32 s9, $0xF7A;
	s5 =	simm.s32 @!p2 $0x0  }
0x1d: {  	s5 =	simm.s32 @p1 $0x1;
	p0 =	seq.s32 s7, s2  }
0x1e: {  	s7 =	smul.u32 @!p0 $0xF7A, s2;
	p2 =	seq.s32 @!p0 s5, $0x0  }
0x1f: {  	s9 =	smul.u32 $0xF7A, s1;
	s8 =	simm.s32 @!p0 $0x1BF5;
	p2 =	por !p2, p0  }
0x20: {  	[sflag:s8] =	ssyncset.s32 @!p0 $0xFFFFF086;
	s6 =	sadd.s32 @!p0 s3, s7;
	s7 =	simm.s32 @!p0 $0x108  }
0x21: {  	s3 =	sadd.s32 s3, s9;
	s6 =	sadd.s32 @!p0 $0x88, s6;
	s7 =	simm.s32 @p2 $0x1082  }
0x22: {  	[simem:s7], [sflag:s8] =	dma.local @!p0 [hbm:s6], $0xF7A  }
0x23: {  	s9 =	sor.u32 $0xD0000000, s2;
	s6 =	simm.s32 $0x108;
	_ =	swait.ge @!p0 [sflag:s8], $0x0  }
0x24: {  	s3 =	sadd.s32 $0x88, s3;
	s6 =	simm.s32 @!p1 $0x1082;
	[sflag:s4] =	ssyncset.s32 $0xFFFFF086  }
0x25: {  	[simem:s6], [sflag:s4] =	dma.local [hbm:s3], $0xF7A  }
0x26: {  	[smem:$0x3F9D] =	sst s1;
	(tag) =	ssettag s2;
	_ =	strace s9  }
0x27: {  	s1 =	sld [smem:$0x3FAD]  }
0x28: {  	s2 =	sld [smem:$0x3FAE]  }
0x29: {  	s4 =	sld [smem:$0x3FB0]  }
0x2a: {  	p0 =	seq.s32 s5, $0x0;
	s5 =	sld [smem:$0x3FB1]  }
0x2b: {  	s6 =	sld [smem:$0x3FB2]  }
0x2c: {  	s7 =	sld [smem:$0x3FB3]  }
0x2d: {  	s3 =	simm.s32 $0x108;
	s8 =	sld [smem:$0x3FB4]  }
0x2e: {  	s3 =	simm.s32 @!p0 $0x1082;
	s9 =	sld [smem:$0x3FB5]  }
0x2f: {  	lr =	sadd.s32 s0, s3;
	s0 =	sld [smem:$0x3FAC]  }
0x30: {  	s3 =	sld [smem:$0x3FAF]  }
0x31: {  	[smem:$0x3FB8] =	sst s10  }
0x32: {  	s10 =	sld [smem:$0x3FB6];
	_ =	sdelay $0x3  }
0x33: {  	p0 =	seq.s32 s10, $0x1;
	s10 =	sld [smem:$0x3FB8];
	_ =	sdelay $0x3  }
0x34: {  	[smem:$0x3FB8] =	sst s10  }
0x35: {  	s10 =	sld [smem:$0x3FB7];
	_ =	sdelay $0x3  }
0x36: {  	p1 =	seq.s32 s10, $0x1;
	s10 =	sld [smem:$0x3FB8];
	_ =	sdelay $0x3  }
0x37: {  	[smem:$0x3FB8] =	sst s10  }
0x38: {  	s10 =	sld [smem:$0x3FB9]  }
0x39: {  	_ = 	snop;
	(pc) =	sbr.ind lr, $3  }
0x3a: {  	_ = 	snop  }
0x3b: {  	_ = 	snop  }
0x3c: {  	p2 =	seq.s32 s10, $0x1;
	s10 =	sld [smem:$0x3FB8]  }
0x3d: {  	_ =	shalt  }
0x3e: {  	_ =	shalt  }
0x3f: {  	_ =	shalt  }
0x40: {  	_ =	shalt  }
0x41: {  	_ =	shalt  }
0x42: {  	_ =	shalt  }
0x43: {  	_ =	shalt  }
0x44: {  	_ =	shalt  }
0x45: {  	_ =	shalt  }
0x46: {  	_ =	shalt  }
0x47: {  	_ =	shalt  }
0x48: {  	_ =	shalt  }
0x49: {  	_ =	shalt  }
0x4a: {  	_ =	shalt  }
0x4b: {  	_ =	shalt  }
0x4c: {  	_ =	shalt  }
0x4d: {  	_ =	shalt  }
0x4e: {  	_ =	shalt  }
0x4f: {  	_ =	shalt  }
0x50: {  	_ =	shalt  }
0x51: {  	_ =	shalt  }
0x52: {  	_ =	shalt  }
0x53: {  	_ =	shalt  }
0x54: {  	_ =	shalt  }
0x55: {  	_ =	shalt  }
0x56: {  	_ =	shalt  }
0x57: {  	_ =	shalt  }
0x58: {  	_ =	shalt  }
0x59: {  	_ =	shalt  }
0x5a: {  	_ =	shalt  }
0x5b: {  	_ =	shalt  }
0x5c: {  	_ =	shalt  }
0x5d: {  	_ =	shalt  }
0x5e: {  	_ =	shalt  }
0x5f: {  	_ =	shalt  }
0x60: {  	_ =	shalt  }
0x61: {  	_ =	shalt  }
0x62: {  	_ =	shalt  }
0x63: {  	_ =	shalt  }
0x64: {  	_ =	shalt  }
0x65: {  	_ =	shalt  }
0x66: {  	_ =	shalt  }
0x67: {  	_ =	shalt  }
0x68: {  	_ =	shalt  }
0x69: {  	_ =	shalt  }
0x6a: {  	_ =	shalt  }
0x6b: {  	_ =	shalt  }
0x6c: {  	_ =	shalt  }
0x6d: {  	_ =	shalt  }
0x6e: {  	_ =	shalt  }
0x6f: {  	_ =	shalt  }
0x70: {  	_ =	shalt  }
0x71: {  	_ =	shalt  }
0x72: {  	_ =	shalt  }
0x73: {  	_ =	shalt  }
0x74: {  	_ =	shalt  }
0x75: {  	_ =	shalt  }
0x76: {  	_ =	shalt  }
0x77: {  	_ =	shalt  }
0x78: {  	_ =	shalt  }
0x79: {  	_ =	shalt  }
0x7a: {  	_ =	shalt  }
0x7b: {  	_ =	shalt  }
0x7c: {  	_ =	shalt  }
0x7d: {  	_ =	shalt  }
0x7e: {  	_ =	shalt  }
0x7f: {  	_ =	shalt  }
0x80: {  	_ =	shalt  }
0x81: {  	_ =	shalt  }
0x82: {  	_ =	shalt  }
0x83: {  	_ =	shalt  }
0x84: {  	_ =	shalt  }
0x85: {  	_ =	shalt  }
0x86: {  	_ =	shalt  }
0x87: {  	_ =	shalt  }
.Lfunc_end0:
.L_simem_size_0:
called_computation_lowered:
.L_overlay_start_0:
0x88: {  	s2 =	sld [smem:$0x3FD9]  }
0x89: {  	s3 =	sld [smem:$0x3FFE];
	_ =	sdelay $0x1  }
0x8a: {  	s1 =	srdreg.scid  }
0x8b: {  	s0 =	sand.u32 $0x1, s1  }
0x8c: {  	s18 =	sshll.u32 s0, $0xA;
	s2 =	sadd.s32 s3, s2  }
0x8d: {  	s2 =	sadd.s32 s2, s18  }
0x8e: {  	[smem:$0x3FC4] =	sst s2  }
0x8f: {  	_ = 	snop  }
0x90: {  	s2 =	sld [smem:$0x3FC9]  }
0x91: {  	s19 =	sld [smem:$0x3FC8]  }
0x92: {  	s4 =	sld [smem:$0x3FC7]  }
0x93: {  	s5 =	sld [smem:$0x3FC6]  }
0x94: {  	s6 =	sld [smem:$0x3FD0];
	(tm) =	ssettm $0x1  }
0x95: {  	s7 =	sld [smem:$0x3FFB];
	_ =	sdelay $0x3  }
0x96: {  	_ =	strace s7  }
0x97: {  	s7 =	sld [smem:$0x3FFC];
	_ =	sdelay $0x3  }
0x98: {  	_ =	strace s7  }
0x99: {  	s7 =	sld [smem:$0x3FFD];
	_ =	sdelay $0x3  }
0x9a: {  	_ =	strace s7  }
0x9b: {  	_ =	strace $0x8FFFFFFF  }
0x9c: {  	s20 =	sld [smem:$0x3FDB];
	_ =	sdelay $0x1  }
0x9d: {  	s8 =	simm.s32 $_scs_section_size  }
0x9e: {  	s9 =	simm.s32 $_size__tile_overlayer_lowered;
	s10 =	simm.s32 $_tile_overlayer_lowered  }
0x9f: {  	s23 =	simm.s32 $0x1BFF;
	s22 =	sshll.u32 s10, $0x1;
	s7 =	sadd.s32 s8, s20  }
0xa0: {  	s11 =	simm.s32 $0x0;
	s21 =	sshll.u32 s9, $0x1;
	s9 =	sadd.s32 s22, s7  }
0xa1: {  	[timem:s11], [sflag:s23] =	dma.local [hbm:s9], s21  }
0xa2: {  	_ =	swait.ge [sflag:s23], s21  }
0xa3: {  	s8 =	ssub.s32 $0x0, s21;
	[sflag:s23] =	ssyncset.done $0x0  }
0xa4: {  	[sflag:s23] =	ssyncadd.s32 s8;
	_ =	sdelay $0x1  }
0xa5: {  	s24 =	simm.s32 $0x1B8B  }
0xa6: {  	_ =	swait.ge [sflag:s24], $0x1  }
0xa7: {  	[sflag:s24] =	ssyncset.done $0x0  }
0xa8: {  	s25 =	simm.s32 $0x1B8E;
	[sflag:s24] =	ssyncadd.s32 $0xFFFFFFFF  }
0xa9: {  	s26 =	simm.s32 $execute0_lowered;
	[smem:$0x3FD2] =	sst s25  }
0xaa: {  	s8 =	sshll.u32 s26, $0x1;
	_ =	strace $0x80000046;
	[dreg:$0x1] =	wrdreg $0xFFFFFFFF  }
0xab: {  	s28 =	simm.s32 $_size_execute0_lowered;
	s7 =	sadd.s32 s7, s8;
	[dreg:$0x0] =	wrdreg $0x0  }
0xac: {  	s8 =	sshll.u32 s28, $0x1;
	[dreg:$0x2] =	wrdreg s7  }
0xad: {  	[dreg:$0x3] =	wrdreg s8  }
0xae: {  	[dreg:$0x4] =	wrdreg $0xC0  }
0xaf: {  	_ =	task [dreg:s11], $0x5FFFF  }
0xb0: {  	[dreg:$0x1] =	wrdreg $0xFFFFFFFF  }
0xb1: {  	[dreg:$0x0] =	wrdreg $0x60  }
0xb2: {  	[dreg:$0x2] =	wrdreg s2  }
0xb3: {  	[dreg:$0x3] =	wrdreg s19  }
0xb4: {  	[dreg:$0x4] =	wrdreg s4  }
0xb5: {  	[dreg:$0x5] =	wrdreg s5  }
0xb6: {  	[dreg:$0x6] =	wrdreg s6  }
0xb7: {  	[dreg:$0x7] =	wrdreg $0x102000  }
0xb8: {  	[dreg:$0x8] =	wrdreg $0x9  }
0xb9: {  	_ =	task.clear_ibuf [dreg:s11], $0x9FFFF;
	_ =	strace $0x90000046  }
0xba: {  	s29 =	simm.s32 $0x9;
	_ =	strace $0x80000048  }
0xbb: {  	_ =	swait.ge [sflag:s29], $0x1  }
0xbc: {  	[sflag:s29] =	ssyncadd.s32 $0xFFFFFFFF  }
0xbd: {  	_ =	strace $0x90000048  }
0xbe: {  	_ =	sfence  }
0xbf: {  	s30 =	sld [smem:$0x0];
	_ =	sdelay $0x2  }
0xc0: {  	s31 =	sshll.u32 s1, $0xD;
	s1 =	sshrl.u32 s1, $0x2  }
0xc1: {  	s3 =	sand.u32 $0x4000, s31;
	s1 =	sadd.s32 s1, s30  }
0xc2: {  	s0 =	sor.u32 s3, s0;
	s1 =	sshll.u32 s1, $0x11  }
0xc3: {  	s0 =	sor.u32 s1, s0  }
0xc4: {  	s0 =	sadd.s32 $0x8F2B, s0  }
0xc5: {  	[sflag:s0] =	ssyncadd.remote.s32 $0x1  }
0xc6: {  	_ =	sfence.sel $0xFFFF  }
0xc7: {  	[dreg:$0x0] =	wrdreg $0xFFFFFFFF;
	(pc) =	sbr.abs _section_cstart, $3  }
0xc8: {  	[dreg:$0x1] =	wrdreg $0xFFFFFFFF  }
0xc9: {  	_ =	task.clear_ibuf [dreg:s11], $0x2FFFF;
	_ =	strace $0x9FFFFFFF  }
0xca: {  	(tm) =	ssettm $0x7FFFFFFF  }
0xcb: {  	_ =	shalt  }
tec
execute0_lowered:
.L_overlay_start_1:
0x0: {  	(tag) =	ssettag $0x1  }
0x1: {  	s7 =	rddreg [dreg:$0x0]  }
0x2: {  	s9 =	rddreg [dreg:$0x1]  }
0x3: {  	s0 =	rddreg [dreg:$0x2]  }
0x4: {  	s1 =	rddreg [dreg:$0x3]  }
0x5: {  	s8 =	rddreg [dreg:$0x4]  }
0x6: {  	s2 =	srdreg.scid;
	s12 =	stileid.u32  }
0x7: {  	s3 =	rddreg [dreg:$0x5];
	s4 =	simm.s32 $0x0;
	s16 =	simm.s32 $0x1  }
0x8: {  	s17 =	simm.s32 $0x3;
	s18 =	simm.s32 $0x2;
	s19 =	simm.s32 $0x4  }
0x9: {  	s20 =	simm.s32 $0x200;
	s21 =	simm.s32 $0x4200;
	s22 =	simm.s32 $0x8200  }
0xa: {  	s23 =	simm.s32 $0xC200;
	s24 =	simm.s32 $0x5;
	s25 =	simm.s32 $0x0  }
0xb: {  	s5 =	sand.u32 $0x1, s2;
	s6 =	sshll.u32 s12, $0x1;
	s2 =	rddreg [dreg:$0x6]  }
0xc: {  	s11 =	sshll.u32 s12, $0x2;
	[smem:$0x7FF] =	sst s4;
	p0 =	sne.s32 s12, $0x0  }
0xd: {  	s12 =	simm.s32 $0x100;
	s6 =	sor.u32 s5, s6;
	s5 =	ssub.s32 $0x2, s5  }
0xe: {  	_ =	strace $0x80000047;
	s15 =	sshrl.u32 @!p0 s3, $0x3;
	s10 =	sshll.u32 s6, $0x7  }
0xf: {  	s13 =	sshrl.u32 s5, $0x1;
	s14 =	sshll.u32 s6, $0xC;
	s10 =	sor.u32 s11, s10  }
0x10: {  	s30 =	ssub.s32 s5, s13;
	s8 =	sadd.s32 s8, s14;
	s13 =	simm.s32 $0x80  }
0x11: {  	s14 =	simm.s32 $0x180;
	s10 =	sand.u32 $0x3B0, s10;
	s11 =	smax.u32 s30, $0x1  }
0x12: {  	s5 =	sadd.s32 s7, s10;
	s31 =	sor.u32 $0x40, s10;
	s6 =	sadd.s32 s9, s10  }
0x13: {  	s10 =	sadd.s32 $0x800, s8;
	s7 =	sadd.s32 s7, s31;
	s9 =	sadd.s32 s9, s31  }
.LBB2_1:
0x14: {  	[tilespmem:s4], [sflag:$0x1] =	stream.linear.gather [hbm4b:s5+s4], $0x80, $0x38;
	[tilespmem:$0x14200] =	vst v63  }
0x15: {  	_ = 	snop  }
0x16: {  	[tilespmem:s12], [sflag:$0x3] =	stream.linear.gather [hbm4b:s6+s4], $0x80, $0x38;
	[tilespmem:$0x14200] =	vst v63  }
0x17: {  	_ = 	snop  }
0x18: {  	[tilespmem:s13], [sflag:$0x2] =	stream.linear.gather [hbm4b:s7+s4], $0x80, $0x38;
	[tilespmem:$0x14200] =	vst v63  }
0x19: {  	s26 =	simm.s32 @!p0 $0x1C06  }
0x1a: {  	[tilespmem:s14], [sflag:$0x4] =	stream.linear.gather [hbm4b:s9+s4], $0x80, $0x38;
	[tilespmem:$0x14200] =	vst v63  }
0x1b: {  	[spmem:s15], [sflag:s26] =	dma.local @!p0 [hbm:s1], $0x8000  }
0x1c: {  	s26 =	simm.s32 @!p0 $0x6  }
0x1d: {  	_ =	swait.ge @!p0 [sflag:s26], $0x8000  }
0x1e: {  	[sflag:s26] =	ssyncset.done @!p0 $0x0  }
0x1f: {  	[sflag:s26] =	ssyncadd.s32 @!p0 $0xFFFF8000  }
0x20: {  	_ =	swait.ge [sflag:s16], $0x80  }
0x21: {  	[sflag:s16] =	ssyncset.done $0x0  }
0x22: {  	[sflag:s16] =	ssyncadd.s32 $0xFFFFFF80  }
0x23: {  	_ =	swait.ge [sflag:s17], $0x80  }
0x24: {  	[sflag:s17] =	ssyncset.done $0x0  }
0x25: {  	[sflag:s17] =	ssyncadd.s32 $0xFFFFFF80  }
0x26: {  	_ =	swait.ge [sflag:s18], $0x80  }
0x27: {  	[sflag:s18] =	ssyncset.done $0x0  }
0x28: {  	[sflag:s18] =	ssyncadd.s32 $0xFFFFFF80  }
0x29: {  	_ =	swait.ge [sflag:s19], $0x80  }
0x2a: {  	[sflag:s19] =	ssyncset.done $0x0  }
0x2b: {  	[sflag:s19] =	ssyncadd.s32 $0xFFFFFF80  }
0x2c: {  	[tilespmem:s20], [sflag:$0x1] =	stream.indirect.gather [hbm4b:s0+s13], $0x80, s4, s13, $0xb8;
	[tilespmem:$0x14200] =	vst v63  }
0x2d: {  	_ = 	snop  }
0x2e: {  	[tilespmem:s21], [sflag:$0x2] =	stream.indirect.gather [hbm4b:s0+s13], $0x80, s13, s13, $0xb8;
	[tilespmem:$0x14200] =	vst v63  }
0x2f: {  	[bflag:$0x0] =	sbarrier.arrive $0xFFFF  }
0x30: {  	[tilespmem:s22], [sflag:$0x3] =	stream.indirect.gather [spmem:s3], $0x80, s12, s13, $0xb8;
	[tilespmem:$0x14200] =	vst v63  }
0x31: {  	_ = 	snop  }
0x32: {  	[tilespmem:s23], [sflag:$0x4] =	stream.indirect.gather [spmem:s3], $0x80, s14, s13, $0xb8;
	[tilespmem:$0x14200] =	vst v63  }
0x33: {  	_ =	swait.ge [sflag:s16], $0x4000  }
0x34: {  	[sflag:s16] =	ssyncset.done $0x0  }
0x35: {  	[sflag:s16] =	ssyncadd.s32 $0xFFFFC000  }
0x36: {  	_ =	swait.ge [sflag:s17], $0x4000  }
0x37: {  	[sflag:s17] =	ssyncset.done $0x0  }
0x38: {  	s28 =	simm.s32 $0x400;
	s26 =	simm.s32 $0x0;
	[sflag:s17] =	ssyncadd.s32 $0xFFFFC000  }
.LBB2_2:
0x39: {  	p1 =	sne.s32 s28, $0xFC00;
	v0 =	vld [tilespmem:s26+$0x82F0]  }
0x3a: {  	v1 =	vld [tilespmem:s26+$0x8200]  }
0x3b: {  	v2 =	vld [tilespmem:s26+$0x8210]  }
0x3c: {  	v3 =	vld [tilespmem:s26+$0x8220]  }
0x3d: {  	v4 =	vld [tilespmem:s26+$0x8230]  }
0x3e: {  	[tilespmem:s26+$0x2F0] =	vst.add.f32.msk $0xffff, v0  }
0x3f: {  	v0 =	vld [tilespmem:s26+$0x8240]  }
0x40: {  	v5 =	vld [tilespmem:s26+$0x8250]  }
0x41: {  	v6 =	vld [tilespmem:s26+$0x8260]  }
0x42: {  	v7 =	vld [tilespmem:s26+$0x8270]  }
0x43: {  	v8 =	vld [tilespmem:s26+$0x8280]  }
0x44: {  	v9 =	vld [tilespmem:s26+$0x8290]  }
0x45: {  	v10 =	vld [tilespmem:s26+$0x82A0]  }
0x46: {  	v11 =	vld [tilespmem:s26+$0x82B0]  }
0x47: {  	v12 =	vld [tilespmem:s26+$0x82C0]  }
0x48: {  	v13 =	vld [tilespmem:s26+$0x82D0]  }
0x49: {  	v14 =	vld [tilespmem:s26+$0x82E0]  }
0x4a: {  	[tilespmem:s26+$0x200] =	vst.add.f32.msk $0xffff, v1  }
0x4b: {  	[tilespmem:s26+$0x210] =	vst.add.f32.msk $0xffff, v2  }
0x4c: {  	[tilespmem:s26+$0x220] =	vst.add.f32.msk $0xffff, v3  }
0x4d: {  	[tilespmem:s26+$0x230] =	vst.add.f32.msk $0xffff, v4  }
0x4e: {  	[tilespmem:s26+$0x240] =	vst.add.f32.msk $0xffff, v0  }
0x4f: {  	[tilespmem:s26+$0x250] =	vst.add.f32.msk $0xffff, v5  }
0x50: {  	[tilespmem:s26+$0x260] =	vst.add.f32.msk $0xffff, v6  }
0x51: {  	[tilespmem:s26+$0x270] =	vst.add.f32.msk $0xffff, v7  }
0x52: {  	[tilespmem:s26+$0x280] =	vst.add.f32.msk $0xffff, v8  }
0x53: {  	[tilespmem:s26+$0x290] =	vst.add.f32.msk $0xffff, v9  }
.Ltmp0:
0x54: {  	[tilespmem:s26+$0x2A0] =	vst.add.f32.msk $0xffff, v10;
	(pc) =	sbr.rel @p1 .LBB2_2-.Ltmp0, $4  }
0x55: {  	[tilespmem:s26+$0x2B0] =	vst.add.f32.msk $0xffff, v11  }
0x56: {  	[tilespmem:s26+$0x2C0] =	vst.add.f32.msk $0xffff, v12  }
0x57: {  	[tilespmem:s26+$0x2D0] =	vst.add.f32.msk $0xffff, v13  }
0x58: {  	[tilespmem:s26+$0x2E0] =	vst.add.f32.msk $0xffff, v14;
	s26 =	sshra.s32 s28, $0x2;
	s28 =	sadd.s32 $0x400, s28  }
0x59: {  	v0 =	vld [tilespmem:s26+$0x82F0]  }
0x5a: {  	v1 =	vld [tilespmem:s26+$0x8200]  }
0x5b: {  	v2 =	vld [tilespmem:s26+$0x8210]  }
0x5c: {  	v3 =	vld [tilespmem:s26+$0x8220]  }
0x5d: {  	v4 =	vld [tilespmem:s26+$0x8230]  }
0x5e: {  	v63 =	vld [tilespmem:s26+$0x8240]  }
0x5f: {  	v5 =	vld [tilespmem:s26+$0x8250]  }
0x60: {  	v6 =	vld [tilespmem:s26+$0x8260]  }
0x61: {  	v7 =	vld [tilespmem:s26+$0x8270]  }
0x62: {  	v8 =	vld [tilespmem:s26+$0x8280]  }
0x63: {  	v9 =	vld [tilespmem:s26+$0x8290]  }
0x64: {  	v10 =	vld [tilespmem:s26+$0x82A0]  }
0x65: {  	v11 =	vld [tilespmem:s26+$0x82B0]  }
0x66: {  	v12 =	vld [tilespmem:s26+$0x82C0]  }
0x67: {  	v13 =	vld [tilespmem:s26+$0x82D0]  }
0x68: {  	v14 =	vld [tilespmem:s26+$0x82E0]  }
0x69: {  	[tilespmem:s26+$0x2F0] =	vst.add.f32.msk $0xffff, v0  }
0x6a: {  	[tilespmem:s26+$0x200] =	vst.add.f32.msk $0xffff, v1  }
0x6b: {  	[tilespmem:s26+$0x210] =	vst.add.f32.msk $0xffff, v2  }
0x6c: {  	[tilespmem:s26+$0x220] =	vst.add.f32.msk $0xffff, v3  }
0x6d: {  	[tilespmem:s26+$0x230] =	vst.add.f32.msk $0xffff, v4  }
0x6e: {  	[tilespmem:s26+$0x240] =	vst.add.f32.msk $0xffff, v63  }
0x6f: {  	[tilespmem:s26+$0x250] =	vst.add.f32.msk $0xffff, v5  }
0x70: {  	[tilespmem:s26+$0x260] =	vst.add.f32.msk $0xffff, v6  }
0x71: {  	[tilespmem:s26+$0x270] =	vst.add.f32.msk $0xffff, v7  }
0x72: {  	[tilespmem:s26+$0x280] =	vst.add.f32.msk $0xffff, v8  }
0x73: {  	[tilespmem:s26+$0x290] =	vst.add.f32.msk $0xffff, v9  }
0x74: {  	[tilespmem:s26+$0x2A0] =	vst.add.f32.msk $0xffff, v10  }
0x75: {  	[tilespmem:s26+$0x2B0] =	vst.add.f32.msk $0xffff, v11  }
0x76: {  	[tilespmem:s26+$0x2C0] =	vst.add.f32.msk $0xffff, v12  }
0x77: {  	[tilespmem:s26+$0x2D0] =	vst.add.f32.msk $0xffff, v13  }
0x78: {  	s31 =	simm.s32 $0x0;
	[tilespmem:s26+$0x2E0] =	vst.add.f32.msk $0xffff, v14  }
0x79: {  	[hbm4b:s8+s31] =	stream.linear.scatter [tilespmem:s20], [sflag:$0x5], $0x4000, $0x38;
	[tilespmem:$0x14200] =	vst v63  }
0x7a: {  	_ =	swait.ge [sflag:s18], $0x4000  }
0x7b: {  	[sflag:s18] =	ssyncset.done $0x0  }
0x7c: {  	[sflag:s18] =	ssyncadd.s32 $0xFFFFC000  }
0x7d: {  	_ =	swait.ge [sflag:s19], $0x4000  }
0x7e: {  	[sflag:s19] =	ssyncset.done $0x0  }
0x7f: {  	s28 =	simm.s32 $0x400;
	s26 =	simm.s32 $0x0;
	[sflag:s19] =	ssyncadd.s32 $0xFFFFC000  }
.LBB2_4:
0x80: {  	p1 =	sne.s32 s28, $0xFC00;
	v0 =	vld [tilespmem:s26+$0xC2F0]  }
0x81: {  	v1 =	vld [tilespmem:s26+$0xC200]  }
0x82: {  	v2 =	vld [tilespmem:s26+$0xC210]  }
0x83: {  	v3 =	vld [tilespmem:s26+$0xC220]  }
0x84: {  	v4 =	vld [tilespmem:s26+$0xC230]  }
0x85: {  	[tilespmem:s26+$0x42F0] =	vst.add.f32.msk $0xffff, v0  }
0x86: {  	v0 =	vld [tilespmem:s26+$0xC240]  }
0x87: {  	v5 =	vld [tilespmem:s26+$0xC250]  }
0x88: {  	v6 =	vld [tilespmem:s26+$0xC260]  }
0x89: {  	v7 =	vld [tilespmem:s26+$0xC270]  }
0x8a: {  	v8 =	vld [tilespmem:s26+$0xC280]  }
0x8b: {  	v9 =	vld [tilespmem:s26+$0xC290]  }
0x8c: {  	v10 =	vld [tilespmem:s26+$0xC2A0]  }
0x8d: {  	v11 =	vld [tilespmem:s26+$0xC2B0]  }
0x8e: {  	v12 =	vld [tilespmem:s26+$0xC2C0]  }
0x8f: {  	v13 =	vld [tilespmem:s26+$0xC2D0]  }
0x90: {  	v14 =	vld [tilespmem:s26+$0xC2E0]  }
0x91: {  	[tilespmem:s26+$0x4200] =	vst.add.f32.msk $0xffff, v1  }
0x92: {  	[tilespmem:s26+$0x4210] =	vst.add.f32.msk $0xffff, v2  }
0x93: {  	[tilespmem:s26+$0x4220] =	vst.add.f32.msk $0xffff, v3  }
0x94: {  	[tilespmem:s26+$0x4230] =	vst.add.f32.msk $0xffff, v4  }
0x95: {  	[tilespmem:s26+$0x4240] =	vst.add.f32.msk $0xffff, v0  }
0x96: {  	[tilespmem:s26+$0x4250] =	vst.add.f32.msk $0xffff, v5  }
0x97: {  	[tilespmem:s26+$0x4260] =	vst.add.f32.msk $0xffff, v6  }
0x98: {  	[tilespmem:s26+$0x4270] =	vst.add.f32.msk $0xffff, v7  }
0x99: {  	[tilespmem:s26+$0x4280] =	vst.add.f32.msk $0xffff, v8  }
0x9a: {  	[tilespmem:s26+$0x4290] =	vst.add.f32.msk $0xffff, v9  }
.Ltmp1:
0x9b: {  	[tilespmem:s26+$0x42A0] =	vst.add.f32.msk $0xffff, v10;
	(pc) =	sbr.rel @p1 .LBB2_4-.Ltmp1, $4  }
0x9c: {  	[tilespmem:s26+$0x42B0] =	vst.add.f32.msk $0xffff, v11  }
0x9d: {  	[tilespmem:s26+$0x42C0] =	vst.add.f32.msk $0xffff, v12  }
0x9e: {  	[tilespmem:s26+$0x42D0] =	vst.add.f32.msk $0xffff, v13  }
0x9f: {  	[tilespmem:s26+$0x42E0] =	vst.add.f32.msk $0xffff, v14;
	s26 =	sshra.s32 s28, $0x2;
	s28 =	sadd.s32 $0x400, s28  }
0xa0: {  	v0 =	vld [tilespmem:s26+$0xC2F0]  }
0xa1: {  	v1 =	vld [tilespmem:s26+$0xC200]  }
0xa2: {  	v2 =	vld [tilespmem:s26+$0xC210]  }
0xa3: {  	v3 =	vld [tilespmem:s26+$0xC220]  }
0xa4: {  	v4 =	vld [tilespmem:s26+$0xC230]  }
0xa5: {  	v63 =	vld [tilespmem:s26+$0xC240]  }
0xa6: {  	v5 =	vld [tilespmem:s26+$0xC250]  }
0xa7: {  	v6 =	vld [tilespmem:s26+$0xC260]  }
0xa8: {  	v7 =	vld [tilespmem:s26+$0xC270]  }
0xa9: {  	v8 =	vld [tilespmem:s26+$0xC280]  }
0xaa: {  	v9 =	vld [tilespmem:s26+$0xC290]  }
0xab: {  	v10 =	vld [tilespmem:s26+$0xC2A0]  }
0xac: {  	v11 =	vld [tilespmem:s26+$0xC2B0]  }
0xad: {  	v12 =	vld [tilespmem:s26+$0xC2C0]  }
0xae: {  	v13 =	vld [tilespmem:s26+$0xC2D0]  }
0xaf: {  	v14 =	vld [tilespmem:s26+$0xC2E0]  }
0xb0: {  	[tilespmem:s26+$0x42F0] =	vst.add.f32.msk $0xffff, v0  }
0xb1: {  	[tilespmem:s26+$0x4200] =	vst.add.f32.msk $0xffff, v1  }
0xb2: {  	[tilespmem:s26+$0x4210] =	vst.add.f32.msk $0xffff, v2  }
0xb3: {  	[tilespmem:s26+$0x4220] =	vst.add.f32.msk $0xffff, v3  }
0xb4: {  	[tilespmem:s26+$0x4230] =	vst.add.f32.msk $0xffff, v4  }
0xb5: {  	[tilespmem:s26+$0x4240] =	vst.add.f32.msk $0xffff, v63  }
0xb6: {  	[tilespmem:s26+$0x4250] =	vst.add.f32.msk $0xffff, v5  }
0xb7: {  	[tilespmem:s26+$0x4260] =	vst.add.f32.msk $0xffff, v6  }
0xb8: {  	[tilespmem:s26+$0x4270] =	vst.add.f32.msk $0xffff, v7  }
0xb9: {  	[tilespmem:s26+$0x4280] =	vst.add.f32.msk $0xffff, v8  }
0xba: {  	[tilespmem:s26+$0x4290] =	vst.add.f32.msk $0xffff, v9  }
0xbb: {  	[tilespmem:s26+$0x42A0] =	vst.add.f32.msk $0xffff, v10  }
0xbc: {  	[tilespmem:s26+$0x42B0] =	vst.add.f32.msk $0xffff, v11  }
0xbd: {  	[tilespmem:s26+$0x42C0] =	vst.add.f32.msk $0xffff, v12  }
0xbe: {  	[tilespmem:s26+$0x42D0] =	vst.add.f32.msk $0xffff, v13  }
0xbf: {  	s25 =	sadd.s32 $0x1, s25;
	[tilespmem:s26+$0x42E0] =	vst.add.f32.msk $0xffff, v14  }
0xc0: {  	[hbm4b:s10+s4] =	stream.linear.scatter [tilespmem:s21], [sflag:$0x5], $0x4000, $0x38;
	[tilespmem:$0x14200] =	vst v63  }
0xc1: {  	p1 =	sne.s32 s25, s11;
	_ =	swait.ge [sflag:s24], $0x4000  }
.Ltmp2:
0xc2: {  	[sflag:s24] =	ssyncset.done $0x0;
	(pc) =	sbr.rel @p1 .LBB2_1-.Ltmp2, $4  }
0xc3: {  	[sflag:s24] =	ssyncadd.s32 $0xFFFFC000  }
0xc4: {  	_ =	swait.ge [sflag:s24], $0x4000  }
0xc5: {  	[sflag:s24] =	ssyncset.done $0x0  }
0xc6: {  	[sflag:s24] =	ssyncadd.s32 $0xFFFFC000  }
0xc7: {  	_ =	sfence.sel $0x180000  }
0xc8: {  	[bflag:$0x0] =	sbarrier.arrive $0xFFFF  }
0xc9: {  	_ =	strace $0x90000047  }
0xca: {  	s0 =	sadd.s32 @!p0 $0x100000, s2;
	[bflag:$0x2] =	sbarrier.arrive $0xFFFF  }
0xcb: {  	[sflag:s0] =	ssyncadd.tile.s32 @!p0 $0x1;
	_ =	shalt  }
.Lfunc_end2:
_tile_overlayer_lowered:
.L_overlay_start_2:
0xcc: {  	(tag) =	ssettag $0x2  }
0xcd: {  	s0 =	rddreg [dreg:$0x0];
	s2 =	stileid.u32  }
0xce: {  	s1 =	rddreg [dreg:$0x1];
	p0 =	sne.s32 s2, $0x0  }
0xcf: {  	s3 =	rddreg [dreg:$0x2];
	[bflag:$0x3] =	sbarrier.arrive $0xFFFF;
	s2 =	simm.s32 @!p0 $0x1C06  }
0xd0: {  	[timem:s3], [sflag:s2] =	dma.local @!p0 [hbm:s0], s1  }
0xd1: {  	s0 =	simm.s32 @!p0 $0x6  }
0xd2: {  	_ =	swait.ge @!p0 [sflag:s0], s1  }
0xd3: {  	s1 =	ssub.s32 @!p0 $0x0, s1;
	[sflag:s0] =	ssyncset.done @!p0 $0x0  }
0xd4: {  	[sflag:s0] =	ssyncadd.s32 @!p0 s1  }
0xd5: {  	[bflag:$0x3] =	sbarrier.arrive $0xFFFF  }
0xd6: {  	_ =	shalt  }

</sc_bundles>
